<compile_context>
chip_gen: v7x
topology: tpu7x:2x2x1
jax: 0.10.2.dev20260603
libtpu: 0.0.44.dev20260713+nightly
codegen_flags: <defaults>
</compile_context>

<pallas_src>
import jax
import jax.numpy as jnp
from jax import lax
from jax.experimental import pallas as pl
from jax.experimental.pallas import tpu as pltpu
from jax.experimental.pallas import tpu_sc as plsc

NC = 2
NS = 16
NW = NC * NS
L = 16

CHUNK = 512
GROUPS = CHUNK // L
NCORN = 8
NIDX = NCORN * CHUNK


def _body(coords_hbm, t0_hbm, t1_hbm, t2_hbm, out_hbm,
          coords_v, idx_v, w_v, rows_v, out_v, sem):
    n = coords_hbm.shape[0] // 3
    per_w = n // NW
    n_chunks = per_w // CHUNK

    wid = lax.axis_index("s") * NC + lax.axis_index("c")
    tile_base = wid * per_w

    lanes = lax.iota(jnp.int32, L)
    offs = [dx * 16384 + dy * 128 + dz
            for dx in (0, 1) for dy in (0, 1) for dz in (0, 1)]

    @pl.loop(0, n_chunks)
    def _chunk(ci):
        base = tile_base + ci * CHUNK
        pltpu.sync_copy(coords_hbm.at[pl.ds(base * 3, CHUNK * 3)], coords_v)

        @pl.loop(0, GROUPS)
        def _groupA(g):
            p0 = pl.multiple_of(g * L, L)
            pts = (lanes + p0) * 3
            x = plsc.load_gather(coords_v, [pts])
            y = plsc.load_gather(coords_v, [pts + 1])
            z = plsc.load_gather(coords_v, [pts + 2])
            xs = x * 127.0
            ys = y * 127.0
            zs = z * 127.0
            i0 = jnp.minimum(xs.astype(jnp.int32), 126)
            j0 = jnp.minimum(ys.astype(jnp.int32), 126)
            k0 = jnp.minimum(zs.astype(jnp.int32), 126)
            fx = xs - i0.astype(jnp.float32)
            fy = ys - j0.astype(jnp.float32)
            fz = zs - k0.astype(jnp.float32)
            gx = 1.0 - fx
            gy = 1.0 - fy
            gz = 1.0 - fz
            ib = i0 * 16384 + j0 * 128 + k0
            wxy = (gx * gy, gx * fy, fx * gy, fx * fy)
            wz = (gz, fz)
            for k in range(NCORN):
                idx_v[pl.ds(k * CHUNK + p0, L)] = ib + offs[k]
                w_v[pl.ds(k * CHUNK + p0, L)] = wxy[k >> 1] * wz[k & 1]

        c0 = pltpu.async_copy(t0_hbm.at[idx_v], rows_v.at[pl.ds(0, NIDX)], sem)
        c1 = pltpu.async_copy(t1_hbm.at[idx_v],
                              rows_v.at[pl.ds(NIDX, NIDX)], sem)
        c2 = pltpu.async_copy(t2_hbm.at[idx_v],
                              rows_v.at[pl.ds(2 * NIDX, NIDX)], sem)
        c0.wait()
        c1.wait()
        c2.wait()

        @pl.loop(0, GROUPS)
        def _groupB(g):
            p0 = pl.multiple_of(g * L, L)
            opts = (lanes + p0) * 3
            w = [w_v[pl.ds(k * CHUNK + p0, L)] for k in range(NCORN)]
            for c in range(3):
                acc = w[0] * rows_v[pl.ds(c * NIDX + p0, L)]
                for k in range(1, NCORN):
                    v = rows_v[pl.ds(c * NIDX + k * CHUNK + p0, L)]
                    acc = acc + w[k] * v
                plsc.store_scatter(out_v, [opts + c], acc)

        pltpu.sync_copy(out_v, out_hbm.at[pl.ds(base * 3, CHUNK * 3)])


def kernel(coords, theta):
    n = coords.shape[0]
    nx, ny, nz, C = theta.shape
    v = nx * ny * nz
    planar = jnp.moveaxis(theta, -1, 0).reshape(C, v)

    mesh = plsc.VectorSubcoreMesh(core_axis_name="c", subcore_axis_name="s",
                                  num_cores=NC, num_subcores=NS)
    f = pl.kernel(
        _body,
        out_type=jax.ShapeDtypeStruct((n * C,), jnp.float32),
        mesh=mesh,
        compiler_params=pltpu.CompilerParams(needs_layout_passes=False),
        scratch_types=[
            pltpu.VMEM((CHUNK * 3,), jnp.float32),
            pltpu.VMEM((NIDX,), jnp.int32),
            pltpu.VMEM((NIDX,), jnp.float32),
            pltpu.VMEM((3 * NIDX,), jnp.float32),
            pltpu.VMEM((CHUNK * 3,), jnp.float32),
            pltpu.SemaphoreType.DMA,
        ],
    )
    out = f(coords.reshape(-1), planar[0], planar[1], planar[2])
    return out.reshape(n, C)

# --- scband reference (transcript-rebuilt; emitter-appended) ---
"""Pipeline reference for scband-deformation-grid-67791763800154 (READ-ONLY COPY).

The authoritative reference and input builder live on the scoring server;
editing this copy changes nothing except your own understanding.
"""

import jax, jax.numpy as jnp
import numpy as np


def setup_inputs(seed: int = 0) -> dict:
    key = jax.random.key(seed)
    k1, k2 = jax.random.split(key)
    coords = jax.random.uniform(k1, (1048576, 3), dtype=jnp.float32)
    theta = jax.random.normal(k2, (128, 128, 128, 3), dtype=jnp.float32) * 0.01
    return {"coords": coords, "theta": theta}


def reference(coords, theta):
    nx, ny, nz, C = theta.shape
    xi = coords[..., 0] * (nx - 1)
    yi = coords[..., 1] * (ny - 1)
    zi = coords[..., 2] * (nz - 1)
    idx = jnp.stack([xi, yi, zi], axis=0)
    grid_c_first = jnp.moveaxis(theta, -1, 0)

    def interp_one(g):
        return jax.scipy.ndimage.map_coordinates(g, idx, order=1, cval=0.0)

    out = jax.vmap(interp_one, in_axes=0)(grid_c_first)
    return jnp.moveaxis(out, 0, -1)

if __name__ == "__main__":
    import jax
    _d = setup_inputs()
    print(jax.jit(kernel)(*tuple(_d.values())))

</pallas_src>

<mosaic_0001>
#map = affine_map<(d0, d1) -> (0)>
module attributes {stable_mosaic.version = 14 : i64} {
  func.func @_body(%arg0: i32, %arg1: i32, %arg2: memref<3145728xf32, #tpu.memory_space<hbm>>, %arg3: memref<2097152xf32, #tpu.memory_space<hbm>>, %arg4: memref<2097152xf32, #tpu.memory_space<hbm>>, %arg5: memref<2097152xf32, #tpu.memory_space<hbm>>, %arg6: memref<3145728xf32, #tpu.memory_space<hbm>>, %arg7: memref<1536xf32, #tpu.memory_space<vmem>>, %arg8: memref<4096xi32, #tpu.memory_space<vmem>>, %arg9: memref<4096xf32, #tpu.memory_space<vmem>>, %arg10: memref<12288xf32, #tpu.memory_space<vmem>>, %arg11: memref<1536xf32, #tpu.memory_space<vmem>>, %arg12: memref<!tpu.dma_semaphore, #tpu.memory_space<semaphore_mem>>) attributes {dimension_semantics = [#tpu.dimension_semantics<core_parallel>, #tpu.dimension_semantics<subcore_parallel>], iteration_bounds = array<i64: 2, 16>, scalar_prefetch = 0 : i64, scratch_operands = 6 : i64, tpu.core_type = #tpu.core_type<sc_vector_subcore>, window_params = [{transform_indices = #map}, {transform_indices = #map}, {transform_indices = #map}, {transform_indices = #map}, {transform_indices = #map}]} {
    %mul3A = arith.constant 2 : i32
    %mul3A_0 = arith.muli %arg1, %mul3A : i32
    %add3A = arith.addi %mul3A_0, %arg0 : i32
    %mul3A_1 = arith.constant 32768 : i32
    %mul3A_2 = arith.muli %add3A, %mul3A_1 : i32
    %iota3A = tpu.iota {dimensions = array<i32: 0>} : vector<16xi32>
    %scan3A = arith.constant 0 : i32
    %scan3A_3 = arith.constant 64 : i32
    %scan3A_4 = arith.addi %scan3A, %scan3A_3 : i32
    %scan3A_5 = arith.constant 1 : i32
    scf.for %scan3A_7 = %scan3A to %scan3A_4 step %scan3A_5  : i32 {
      %mul3A_8 = arith.constant 1 : i32
      %mul3A_9 = arith.muli %scan3A_7, %mul3A_8 : i32
      %add3A_10 = arith.constant 0 : i32
      %add3A_11 = arith.addi %add3A_10, %mul3A_9 : i32
      %mul3A_12 = arith.constant 512 : i32
      %mul3A_13 = arith.muli %add3A_11, %mul3A_12 : i32
      %add3A_14 = arith.addi %mul3A_2, %mul3A_13 : i32
      %mul3A_15 = arith.constant 3 : i32
      %mul3A_16 = arith.muli %add3A_14, %mul3A_15 : i32
      "tpu.region"() ({
        %run_scoped3A = tpu.sem_alloc : memref<!tpu.dma_semaphore, #tpu.memory_space<semaphore_mem>>
        %dma_start3A_51 = tpu.memref_slice %arg2[%mul3A_16] : memref<3145728xf32, #tpu.memory_space<hbm>> -> memref<1536xf32, #tpu.memory_space<hbm>>
        %dma_start3A_52 = tpu.memref_slice %arg2[%mul3A_16] : memref<3145728xf32, #tpu.memory_space<hbm>> -> memref<1536xf32, #tpu.memory_space<hbm>>
        tpu.enqueue_dma source(%dma_start3A_52 : memref<1536xf32, #tpu.memory_space<hbm>>) target(%arg7 : memref<1536xf32, #tpu.memory_space<vmem>>) target_semaphore(%run_scoped3A : memref<!tpu.dma_semaphore, #tpu.memory_space<semaphore_mem>>)
        %dma_wait3A_53 = tpu.memref_slice %arg2[%mul3A_16] : memref<3145728xf32, #tpu.memory_space<hbm>> -> memref<1536xf32, #tpu.memory_space<hbm>>
        %dma_wait3A_54 = tpu.memref_slice %arg2[%mul3A_16] : memref<3145728xf32, #tpu.memory_space<hbm>> -> memref<1536xf32, #tpu.memory_space<hbm>>
        tpu.wait_dma2 semaphore(%run_scoped3A : memref<!tpu.dma_semaphore, #tpu.memory_space<semaphore_mem>>) src(%dma_wait3A_54 : memref<1536xf32, #tpu.memory_space<hbm>>) dst(%arg7 : memref<1536xf32, #tpu.memory_space<vmem>>)
        tpu.yield
      }) : () -> ()
      %scan3A_17 = arith.constant 0 : i32
      %scan3A_18 = arith.constant 32 : i32
      %scan3A_19 = arith.addi %scan3A_17, %scan3A_18 : i32
      %scan3A_20 = arith.constant 1 : i32
      scf.for %scan3A_51 = %scan3A_17 to %scan3A_19 step %scan3A_20  : i32 {
        %mul3A_52 = arith.constant 1 : i32
        %mul3A_53 = arith.muli %scan3A_51, %mul3A_52 : i32
        %add3A_54 = arith.constant 0 : i32
        %add3A_55 = arith.addi %add3A_54, %mul3A_53 : i32
        %mul3A_56 = arith.constant 16 : i32
        %mul3A_57 = arith.muli %add3A_55, %mul3A_56 : i32
        %multiple_of3A = tpu.assume_multiple %mul3A_57, 16 : i32
        %add3A_58 = vector.broadcast %multiple_of3A : i32 to vector<16xi32>
        %add3A_59 = arith.addi %iota3A, %add3A_58 : vector<16xi32>
        %mul3A_60 = arith.constant 3 : i32
        %mul3A_61 = vector.broadcast %mul3A_60 : i32 to vector<16xi32>
        %mul3A_62 = arith.muli %add3A_59, %mul3A_61 : vector<16xi32>
        %gather3A = tpu.vector_load_idx %arg7[%mul3A_62] : memref<1536xf32, #tpu.memory_space<vmem>>[vector<16xi32>], vector<16xf32>,
        %add3A_63 = arith.constant 1 : i32
        %add3A_64 = vector.broadcast %add3A_63 : i32 to vector<16xi32>
        %add3A_65 = arith.addi %mul3A_62, %add3A_64 : vector<16xi32>
        %gather3A_66 = tpu.vector_load_idx %arg7[%add3A_65] : memref<1536xf32, #tpu.memory_space<vmem>>[vector<16xi32>], vector<16xf32>,
        %add3A_67 = arith.constant 2 : i32
        %add3A_68 = vector.broadcast %add3A_67 : i32 to vector<16xi32>
        %add3A_69 = arith.addi %mul3A_62, %add3A_68 : vector<16xi32>
        %gather3A_70 = tpu.vector_load_idx %arg7[%add3A_69] : memref<1536xf32, #tpu.memory_space<vmem>>[vector<16xi32>], vector<16xf32>,
        %mul3A_71 = arith.constant 1.270000e+02 : f32
        %mul3A_72 = vector.broadcast %mul3A_71 : f32 to vector<16xf32>
        %mul3A_73 = arith.mulf %gather3A, %mul3A_72 : vector<16xf32>
        %mul3A_74 = arith.constant 1.270000e+02 : f32
        %mul3A_75 = vector.broadcast %mul3A_74 : f32 to vector<16xf32>
        %mul3A_76 = arith.mulf %gather3A_66, %mul3A_75 : vector<16xf32>
        %mul3A_77 = arith.constant 1.270000e+02 : f32
        %mul3A_78 = vector.broadcast %mul3A_77 : f32 to vector<16xf32>
        %mul3A_79 = arith.mulf %gather3A_70, %mul3A_78 : vector<16xf32>
        %convert_element_type3A = arith.fptosi %mul3A_73 : vector<16xf32> to vector<16xi32>
        %min3A = arith.constant 126 : i32
        %min3A_80 = vector.broadcast %min3A : i32 to vector<16xi32>
        %min3A_81 = arith.minsi %convert_element_type3A, %min3A_80 : vector<16xi32>
        %convert_element_type3A_82 = arith.fptosi %mul3A_76 : vector<16xf32> to vector<16xi32>
        %min3A_83 = arith.constant 126 : i32
        %min3A_84 = vector.broadcast %min3A_83 : i32 to vector<16xi32>
        %min3A_85 = arith.minsi %convert_element_type3A_82, %min3A_84 : vector<16xi32>
        %convert_element_type3A_86 = arith.fptosi %mul3A_79 : vector<16xf32> to vector<16xi32>
        %min3A_87 = arith.constant 126 : i32
        %min3A_88 = vector.broadcast %min3A_87 : i32 to vector<16xi32>
        %min3A_89 = arith.minsi %convert_element_type3A_86, %min3A_88 : vector<16xi32>
        %convert_element_type3A_90 = arith.sitofp %min3A_81 : vector<16xi32> to vector<16xf32>
        %sub3A = arith.subf %mul3A_73, %convert_element_type3A_90 : vector<16xf32>
        %convert_element_type3A_91 = arith.sitofp %min3A_85 : vector<16xi32> to vector<16xf32>
        %sub3A_92 = arith.subf %mul3A_76, %convert_element_type3A_91 : vector<16xf32>
        %convert_element_type3A_93 = arith.sitofp %min3A_89 : vector<16xi32> to vector<16xf32>
        %sub3A_94 = arith.subf %mul3A_79, %convert_element_type3A_93 : vector<16xf32>
        %sub3A_95 = arith.constant 1.000000e+00 : f32
        %sub3A_96 = vector.broadcast %sub3A_95 : f32 to vector<16xf32>
        %sub3A_97 = arith.subf %sub3A_96, %sub3A : vector<16xf32>
        %sub3A_98 = arith.constant 1.000000e+00 : f32
        %sub3A_99 = vector.broadcast %sub3A_98 : f32 to vector<16xf32>
        %sub3A_100 = arith.subf %sub3A_99, %sub3A_92 : vector<16xf32>
        %sub3A_101 = arith.constant 1.000000e+00 : f32
        %sub3A_102 = vector.broadcast %sub3A_101 : f32 to vector<16xf32>
        %sub3A_103 = arith.subf %sub3A_102, %sub3A_94 : vector<16xf32>
        %mul3A_104 = arith.constant 16384 : i32
        %mul3A_105 = vector.broadcast %mul3A_104 : i32 to vector<16xi32>
        %mul3A_106 = arith.muli %min3A_81, %mul3A_105 : vector<16xi32>
        %mul3A_107 = arith.constant 128 : i32
        %mul3A_108 = vector.broadcast %mul3A_107 : i32 to vector<16xi32>
        %mul3A_109 = arith.muli %min3A_85, %mul3A_108 : vector<16xi32>
        %add3A_110 = arith.addi %mul3A_106, %mul3A_109 : vector<16xi32>
        %add3A_111 = arith.addi %add3A_110, %min3A_89 : vector<16xi32>
        %mul3A_112 = arith.mulf %sub3A_97, %sub3A_100 : vector<16xf32>
        %mul3A_113 = arith.mulf %sub3A_97, %sub3A_92 : vector<16xf32>
        %mul3A_114 = arith.mulf %sub3A, %sub3A_100 : vector<16xf32>
        %mul3A_115 = arith.mulf %sub3A, %sub3A_92 : vector<16xf32>
        %add3A_116 = arith.constant 0 : i32
        %add3A_117 = vector.broadcast %add3A_116 : i32 to vector<16xi32>
        %add3A_118 = arith.addi %add3A_111, %add3A_117 : vector<16xi32>
        %add3A_119 = arith.constant 0 : i32
        %add3A_120 = arith.addi %add3A_119, %multiple_of3A : i32
        %swap3A = arith.index_cast %add3A_120 : i32 to index
        %swap3A_121 = tpu.vector_load %arg8[%swap3A] {strides = array<i32>} : memref<4096xi32, #tpu.memory_space<vmem>>, vector<16xi32>,
        tpu.vector_store %arg8[%swap3A], %add3A_118 {strides = array<i32>} : memref<4096xi32, #tpu.memory_space<vmem>>, vector<16xi32>,
        %mul3A_122 = arith.mulf %mul3A_112, %sub3A_103 : vector<16xf32>
        %add3A_123 = arith.constant 0 : i32
        %add3A_124 = arith.addi %add3A_123, %multiple_of3A : i32
        %swap3A_125 = arith.index_cast %add3A_124 : i32 to index
        %swap3A_126 = tpu.vector_load %arg9[%swap3A_125] {strides = array<i32>} : memref<4096xf32, #tpu.memory_space<vmem>>, vector<16xf32>,
        tpu.vector_store %arg9[%swap3A_125], %mul3A_122 {strides = array<i32>} : memref<4096xf32, #tpu.memory_space<vmem>>, vector<16xf32>,
        %add3A_127 = arith.constant 1 : i32
        %add3A_128 = vector.broadcast %add3A_127 : i32 to vector<16xi32>
        %add3A_129 = arith.addi %add3A_111, %add3A_128 : vector<16xi32>
        %add3A_130 = arith.constant 512 : i32
        %add3A_131 = arith.addi %add3A_130, %multiple_of3A : i32
        %swap3A_132 = arith.index_cast %add3A_131 : i32 to index
        %swap3A_133 = tpu.vector_load %arg8[%swap3A_132] {strides = array<i32>} : memref<4096xi32, #tpu.memory_space<vmem>>, vector<16xi32>,
        tpu.vector_store %arg8[%swap3A_132], %add3A_129 {strides = array<i32>} : memref<4096xi32, #tpu.memory_space<vmem>>, vector<16xi32>,
        %mul3A_134 = arith.mulf %mul3A_112, %sub3A_94 : vector<16xf32>
        %add3A_135 = arith.constant 512 : i32
        %add3A_136 = arith.addi %add3A_135, %multiple_of3A : i32
        %swap3A_137 = arith.index_cast %add3A_136 : i32 to index
        %swap3A_138 = tpu.vector_load %arg9[%swap3A_137] {strides = array<i32>} : memref<4096xf32, #tpu.memory_space<vmem>>, vector<16xf32>,
        tpu.vector_store %arg9[%swap3A_137], %mul3A_134 {strides = array<i32>} : memref<4096xf32, #tpu.memory_space<vmem>>, vector<16xf32>,
        %add3A_139 = arith.constant 128 : i32
        %add3A_140 = vector.broadcast %add3A_139 : i32 to vector<16xi32>
        %add3A_141 = arith.addi %add3A_111, %add3A_140 : vector<16xi32>
        %add3A_142 = arith.constant 1024 : i32
        %add3A_143 = arith.addi %add3A_142, %multiple_of3A : i32
        %swap3A_144 = arith.index_cast %add3A_143 : i32 to index
        %swap3A_145 = tpu.vector_load %arg8[%swap3A_144] {strides = array<i32>} : memref<4096xi32, #tpu.memory_space<vmem>>, vector<16xi32>,
        tpu.vector_store %arg8[%swap3A_144], %add3A_141 {strides = array<i32>} : memref<4096xi32, #tpu.memory_space<vmem>>, vector<16xi32>,
        %mul3A_146 = arith.mulf %mul3A_113, %sub3A_103 : vector<16xf32>
        %add3A_147 = arith.constant 1024 : i32
        %add3A_148 = arith.addi %add3A_147, %multiple_of3A : i32
        %swap3A_149 = arith.index_cast %add3A_148 : i32 to index
        %swap3A_150 = tpu.vector_load %arg9[%swap3A_149] {strides = array<i32>} : memref<4096xf32, #tpu.memory_space<vmem>>, vector<16xf32>,
        tpu.vector_store %arg9[%swap3A_149], %mul3A_146 {strides = array<i32>} : memref<4096xf32, #tpu.memory_space<vmem>>, vector<16xf32>,
        %add3A_151 = arith.constant 129 : i32
        %add3A_152 = vector.broadcast %add3A_151 : i32 to vector<16xi32>
        %add3A_153 = arith.addi %add3A_111, %add3A_152 : vector<16xi32>
        %add3A_154 = arith.constant 1536 : i32
        %add3A_155 = arith.addi %add3A_154, %multiple_of3A : i32
        %swap3A_156 = arith.index_cast %add3A_155 : i32 to index
        %swap3A_157 = tpu.vector_load %arg8[%swap3A_156] {strides = array<i32>} : memref<4096xi32, #tpu.memory_space<vmem>>, vector<16xi32>,
        tpu.vector_store %arg8[%swap3A_156], %add3A_153 {strides = array<i32>} : memref<4096xi32, #tpu.memory_space<vmem>>, vector<16xi32>,
        %mul3A_158 = arith.mulf %mul3A_113, %sub3A_94 : vector<16xf32>
        %add3A_159 = arith.constant 1536 : i32
        %add3A_160 = arith.addi %add3A_159, %multiple_of3A : i32
        %swap3A_161 = arith.index_cast %add3A_160 : i32 to index
        %swap3A_162 = tpu.vector_load %arg9[%swap3A_161] {strides = array<i32>} : memref<4096xf32, #tpu.memory_space<vmem>>, vector<16xf32>,
        tpu.vector_store %arg9[%swap3A_161], %mul3A_158 {strides = array<i32>} : memref<4096xf32, #tpu.memory_space<vmem>>, vector<16xf32>,
        %add3A_163 = arith.constant 16384 : i32
        %add3A_164 = vector.broadcast %add3A_163 : i32 to vector<16xi32>
        %add3A_165 = arith.addi %add3A_111, %add3A_164 : vector<16xi32>
        %add3A_166 = arith.constant 2048 : i32
        %add3A_167 = arith.addi %add3A_166, %multiple_of3A : i32
        %swap3A_168 = arith.index_cast %add3A_167 : i32 to index
        %swap3A_169 = tpu.vector_load %arg8[%swap3A_168] {strides = array<i32>} : memref<4096xi32, #tpu.memory_space<vmem>>, vector<16xi32>,
        tpu.vector_store %arg8[%swap3A_168], %add3A_165 {strides = array<i32>} : memref<4096xi32, #tpu.memory_space<vmem>>, vector<16xi32>,
        %mul3A_170 = arith.mulf %mul3A_114, %sub3A_103 : vector<16xf32>
        %add3A_171 = arith.constant 2048 : i32
        %add3A_172 = arith.addi %add3A_171, %multiple_of3A : i32
        %swap3A_173 = arith.index_cast %add3A_172 : i32 to index
        %swap3A_174 = tpu.vector_load %arg9[%swap3A_173] {strides = array<i32>} : memref<4096xf32, #tpu.memory_space<vmem>>, vector<16xf32>,
        tpu.vector_store %arg9[%swap3A_173], %mul3A_170 {strides = array<i32>} : memref<4096xf32, #tpu.memory_space<vmem>>, vector<16xf32>,
        %add3A_175 = arith.constant 16385 : i32
        %add3A_176 = vector.broadcast %add3A_175 : i32 to vector<16xi32>
        %add3A_177 = arith.addi %add3A_111, %add3A_176 : vector<16xi32>
        %add3A_178 = arith.constant 2560 : i32
        %add3A_179 = arith.addi %add3A_178, %multiple_of3A : i32
        %swap3A_180 = arith.index_cast %add3A_179 : i32 to index
        %swap3A_181 = tpu.vector_load %arg8[%swap3A_180] {strides = array<i32>} : memref<4096xi32, #tpu.memory_space<vmem>>, vector<16xi32>,
        tpu.vector_store %arg8[%swap3A_180], %add3A_177 {strides = array<i32>} : memref<4096xi32, #tpu.memory_space<vmem>>, vector<16xi32>,
        %mul3A_182 = arith.mulf %mul3A_114, %sub3A_94 : vector<16xf32>
        %add3A_183 = arith.constant 2560 : i32
        %add3A_184 = arith.addi %add3A_183, %multiple_of3A : i32
        %swap3A_185 = arith.index_cast %add3A_184 : i32 to index
        %swap3A_186 = tpu.vector_load %arg9[%swap3A_185] {strides = array<i32>} : memref<4096xf32, #tpu.memory_space<vmem>>, vector<16xf32>,
        tpu.vector_store %arg9[%swap3A_185], %mul3A_182 {strides = array<i32>} : memref<4096xf32, #tpu.memory_space<vmem>>, vector<16xf32>,
        %add3A_187 = arith.constant 16512 : i32
        %add3A_188 = vector.broadcast %add3A_187 : i32 to vector<16xi32>
        %add3A_189 = arith.addi %add3A_111, %add3A_188 : vector<16xi32>
        %add3A_190 = arith.constant 3072 : i32
        %add3A_191 = arith.addi %add3A_190, %multiple_of3A : i32
        %swap3A_192 = arith.index_cast %add3A_191 : i32 to index
        %swap3A_193 = tpu.vector_load %arg8[%swap3A_192] {strides = array<i32>} : memref<4096xi32, #tpu.memory_space<vmem>>, vector<16xi32>,
        tpu.vector_store %arg8[%swap3A_192], %add3A_189 {strides = array<i32>} : memref<4096xi32, #tpu.memory_space<vmem>>, vector<16xi32>,
        %mul3A_194 = arith.mulf %mul3A_115, %sub3A_103 : vector<16xf32>
        %add3A_195 = arith.constant 3072 : i32
        %add3A_196 = arith.addi %add3A_195, %multiple_of3A : i32
        %swap3A_197 = arith.index_cast %add3A_196 : i32 to index
        %swap3A_198 = tpu.vector_load %arg9[%swap3A_197] {strides = array<i32>} : memref<4096xf32, #tpu.memory_space<vmem>>, vector<16xf32>,
        tpu.vector_store %arg9[%swap3A_197], %mul3A_194 {strides = array<i32>} : memref<4096xf32, #tpu.memory_space<vmem>>, vector<16xf32>,
        %add3A_199 = arith.constant 16513 : i32
        %add3A_200 = vector.broadcast %add3A_199 : i32 to vector<16xi32>
        %add3A_201 = arith.addi %add3A_111, %add3A_200 : vector<16xi32>
        %add3A_202 = arith.constant 3584 : i32
        %add3A_203 = arith.addi %add3A_202, %multiple_of3A : i32
        %swap3A_204 = arith.index_cast %add3A_203 : i32 to index
        %swap3A_205 = tpu.vector_load %arg8[%swap3A_204] {strides = array<i32>} : memref<4096xi32, #tpu.memory_space<vmem>>, vector<16xi32>,
        tpu.vector_store %arg8[%swap3A_204], %add3A_201 {strides = array<i32>} : memref<4096xi32, #tpu.memory_space<vmem>>, vector<16xi32>,
        %mul3A_206 = arith.mulf %mul3A_115, %sub3A_94 : vector<16xf32>
        %add3A_207 = arith.constant 3584 : i32
        %add3A_208 = arith.addi %add3A_207, %multiple_of3A : i32
        %swap3A_209 = arith.index_cast %add3A_208 : i32 to index
        %swap3A_210 = tpu.vector_load %arg9[%swap3A_209] {strides = array<i32>} : memref<4096xf32, #tpu.memory_space<vmem>>, vector<16xf32>,
        tpu.vector_store %arg9[%swap3A_209], %mul3A_206 {strides = array<i32>} : memref<4096xf32, #tpu.memory_space<vmem>>, vector<16xf32>,
      }
      %scan3A_21 = arith.constant 32 : i32
      %dma_start3A = arith.constant 0 : i32
      %dma_start3A_22 = tpu.memref_slice %arg10[%dma_start3A] : memref<12288xf32, #tpu.memory_space<vmem>> -> memref<4096xf32, #tpu.memory_space<vmem>>
      %dma_start3A_23 = arith.constant 0 : i32
      %dma_start3A_24 = tpu.memref_slice %arg3[%dma_start3A_23] : memref<2097152xf32, #tpu.memory_space<hbm>> -> memref<2097152xf32, #tpu.memory_space<hbm>>
      tpu.enqueue_indirect_dma source(%dma_start3A_24 : memref<2097152xf32, #tpu.memory_space<hbm>>) target(%dma_start3A_22 : memref<4096xf32, #tpu.memory_space<vmem>>) offsets(%arg8 : memref<4096xi32, #tpu.memory_space<vmem>>) semaphore(%arg12 : memref<!tpu.dma_semaphore, #tpu.memory_space<semaphore_mem>>)
      %dma_start3A_25 = arith.constant 4096 : i32
      %dma_start3A_26 = tpu.memref_slice %arg10[%dma_start3A_25] : memref<12288xf32, #tpu.memory_space<vmem>> -> memref<4096xf32, #tpu.memory_space<vmem>>
      %dma_start3A_27 = arith.constant 0 : i32
      %dma_start3A_28 = tpu.memref_slice %arg4[%dma_start3A_27] : memref<2097152xf32, #tpu.memory_space<hbm>> -> memref<2097152xf32, #tpu.memory_space<hbm>>
      tpu.enqueue_indirect_dma source(%dma_start3A_28 : memref<2097152xf32, #tpu.memory_space<hbm>>) target(%dma_start3A_26 : memref<4096xf32, #tpu.memory_space<vmem>>) offsets(%arg8 : memref<4096xi32, #tpu.memory_space<vmem>>) semaphore(%arg12 : memref<!tpu.dma_semaphore, #tpu.memory_space<semaphore_mem>>)
      %dma_start3A_29 = arith.constant 8192 : i32
      %dma_start3A_30 = tpu.memref_slice %arg10[%dma_start3A_29] : memref<12288xf32, #tpu.memory_space<vmem>> -> memref<4096xf32, #tpu.memory_space<vmem>>
      %dma_start3A_31 = arith.constant 0 : i32
      %dma_start3A_32 = tpu.memref_slice %arg5[%dma_start3A_31] : memref<2097152xf32, #tpu.memory_space<hbm>> -> memref<2097152xf32, #tpu.memory_space<hbm>>
      tpu.enqueue_indirect_dma source(%dma_start3A_32 : memref<2097152xf32, #tpu.memory_space<hbm>>) target(%dma_start3A_30 : memref<4096xf32, #tpu.memory_space<vmem>>) offsets(%arg8 : memref<4096xi32, #tpu.memory_space<vmem>>) semaphore(%arg12 : memref<!tpu.dma_semaphore, #tpu.memory_space<semaphore_mem>>)
      %dma_wait3A = arith.constant 0 : i32
      %dma_wait3A_33 = tpu.memref_slice %arg10[%dma_wait3A] : memref<12288xf32, #tpu.memory_space<vmem>> -> memref<4096xf32, #tpu.memory_space<vmem>>
      %dma_wait3A_34 = arith.constant 0 : i32
      %dma_wait3A_35 = tpu.memref_slice %arg3[%dma_wait3A_34] : memref<2097152xf32, #tpu.memory_space<hbm>> -> memref<2097152xf32, #tpu.memory_space<hbm>>
      tpu.wait_indirect_dma semaphore(%arg12 : memref<!tpu.dma_semaphore, #tpu.memory_space<semaphore_mem>>) src(%dma_wait3A_35 : memref<2097152xf32, #tpu.memory_space<hbm>>) dst(%dma_wait3A_33 : memref<4096xf32, #tpu.memory_space<vmem>>)
      %dma_wait3A_36 = arith.constant 4096 : i32
      %dma_wait3A_37 = tpu.memref_slice %arg10[%dma_wait3A_36] : memref<12288xf32, #tpu.memory_space<vmem>> -> memref<4096xf32, #tpu.memory_space<vmem>>
      %dma_wait3A_38 = arith.constant 0 : i32
      %dma_wait3A_39 = tpu.memref_slice %arg4[%dma_wait3A_38] : memref<2097152xf32, #tpu.memory_space<hbm>> -> memref<2097152xf32, #tpu.memory_space<hbm>>
      tpu.wait_indirect_dma semaphore(%arg12 : memref<!tpu.dma_semaphore, #tpu.memory_space<semaphore_mem>>) src(%dma_wait3A_39 : memref<2097152xf32, #tpu.memory_space<hbm>>) dst(%dma_wait3A_37 : memref<4096xf32, #tpu.memory_space<vmem>>)
      %dma_wait3A_40 = arith.constant 8192 : i32
      %dma_wait3A_41 = tpu.memref_slice %arg10[%dma_wait3A_40] : memref<12288xf32, #tpu.memory_space<vmem>> -> memref<4096xf32, #tpu.memory_space<vmem>>
      %dma_wait3A_42 = arith.constant 0 : i32
      %dma_wait3A_43 = tpu.memref_slice %arg5[%dma_wait3A_42] : memref<2097152xf32, #tpu.memory_space<hbm>> -> memref<2097152xf32, #tpu.memory_space<hbm>>
      tpu.wait_indirect_dma semaphore(%arg12 : memref<!tpu.dma_semaphore, #tpu.memory_space<semaphore_mem>>) src(%dma_wait3A_43 : memref<2097152xf32, #tpu.memory_space<hbm>>) dst(%dma_wait3A_41 : memref<4096xf32, #tpu.memory_space<vmem>>)
      %scan3A_44 = arith.constant 0 : i32
      %scan3A_45 = arith.constant 32 : i32
      %scan3A_46 = arith.addi %scan3A_44, %scan3A_45 : i32
      %scan3A_47 = arith.constant 1 : i32
      scf.for %scan3A_51 = %scan3A_44 to %scan3A_46 step %scan3A_47  : i32 {
        %mul3A_52 = arith.constant 1 : i32
        %mul3A_53 = arith.muli %scan3A_51, %mul3A_52 : i32
        %add3A_54 = arith.constant 0 : i32
        %add3A_55 = arith.addi %add3A_54, %mul3A_53 : i32
        %mul3A_56 = arith.constant 16 : i32
        %mul3A_57 = arith.muli %add3A_55, %mul3A_56 : i32
        %multiple_of3A = tpu.assume_multiple %mul3A_57, 16 : i32
        %add3A_58 = vector.broadcast %multiple_of3A : i32 to vector<16xi32>
        %add3A_59 = arith.addi %iota3A, %add3A_58 : vector<16xi32>
        %mul3A_60 = arith.constant 3 : i32
        %mul3A_61 = vector.broadcast %mul3A_60 : i32 to vector<16xi32>
        %mul3A_62 = arith.muli %add3A_59, %mul3A_61 : vector<16xi32>
        %add3A_63 = arith.constant 0 : i32
        %add3A_64 = arith.addi %add3A_63, %multiple_of3A : i32
        %get3A = arith.index_cast %add3A_64 : i32 to index
        %get3A_65 = tpu.vector_load %arg9[%get3A] {strides = array<i32>} : memref<4096xf32, #tpu.memory_space<vmem>>, vector<16xf32>,
        %add3A_66 = arith.constant 512 : i32
        %add3A_67 = arith.addi %add3A_66, %multiple_of3A : i32
        %get3A_68 = arith.index_cast %add3A_67 : i32 to index
        %get3A_69 = tpu.vector_load %arg9[%get3A_68] {strides = array<i32>} : memref<4096xf32, #tpu.memory_space<vmem>>, vector<16xf32>,
        %add3A_70 = arith.constant 1024 : i32
        %add3A_71 = arith.addi %add3A_70, %multiple_of3A : i32
        %get3A_72 = arith.index_cast %add3A_71 : i32 to index
        %get3A_73 = tpu.vector_load %arg9[%get3A_72] {strides = array<i32>} : memref<4096xf32, #tpu.memory_space<vmem>>, vector<16xf32>,
        %add3A_74 = arith.constant 1536 : i32
        %add3A_75 = arith.addi %add3A_74, %multiple_of3A : i32
        %get3A_76 = arith.index_cast %add3A_75 : i32 to index
        %get3A_77 = tpu.vector_load %arg9[%get3A_76] {strides = array<i32>} : memref<4096xf32, #tpu.memory_space<vmem>>, vector<16xf32>,
        %add3A_78 = arith.constant 2048 : i32
        %add3A_79 = arith.addi %add3A_78, %multiple_of3A : i32
        %get3A_80 = arith.index_cast %add3A_79 : i32 to index
        %get3A_81 = tpu.vector_load %arg9[%get3A_80] {strides = array<i32>} : memref<4096xf32, #tpu.memory_space<vmem>>, vector<16xf32>,
        %add3A_82 = arith.constant 2560 : i32
        %add3A_83 = arith.addi %add3A_82, %multiple_of3A : i32
        %get3A_84 = arith.index_cast %add3A_83 : i32 to index
        %get3A_85 = tpu.vector_load %arg9[%get3A_84] {strides = array<i32>} : memref<4096xf32, #tpu.memory_space<vmem>>, vector<16xf32>,
        %add3A_86 = arith.constant 3072 : i32
        %add3A_87 = arith.addi %add3A_86, %multiple_of3A : i32
        %get3A_88 = arith.index_cast %add3A_87 : i32 to index
        %get3A_89 = tpu.vector_load %arg9[%get3A_88] {strides = array<i32>} : memref<4096xf32, #tpu.memory_space<vmem>>, vector<16xf32>,
        %add3A_90 = arith.constant 3584 : i32
        %add3A_91 = arith.addi %add3A_90, %multiple_of3A : i32
        %get3A_92 = arith.index_cast %add3A_91 : i32 to index
        %get3A_93 = tpu.vector_load %arg9[%get3A_92] {strides = array<i32>} : memref<4096xf32, #tpu.memory_space<vmem>>, vector<16xf32>,
        %add3A_94 = arith.constant 0 : i32
        %add3A_95 = arith.addi %add3A_94, %multiple_of3A : i32
        %get3A_96 = arith.index_cast %add3A_95 : i32 to index
        %get3A_97 = tpu.vector_load %arg10[%get3A_96] {strides = array<i32>} : memref<12288xf32, #tpu.memory_space<vmem>>, vector<16xf32>,
        %mul3A_98 = arith.mulf %get3A_65, %get3A_97 : vector<16xf32>
        %add3A_99 = arith.constant 512 : i32
        %add3A_100 = arith.addi %add3A_99, %multiple_of3A : i32
        %get3A_101 = arith.index_cast %add3A_100 : i32 to index
        %get3A_102 = tpu.vector_load %arg10[%get3A_101] {strides = array<i32>} : memref<12288xf32, #tpu.memory_space<vmem>>, vector<16xf32>,
        %mul3A_103 = arith.mulf %get3A_69, %get3A_102 : vector<16xf32>
        %add3A_104 = arith.addf %mul3A_98, %mul3A_103 : vector<16xf32>
        %add3A_105 = arith.constant 1024 : i32
        %add3A_106 = arith.addi %add3A_105, %multiple_of3A : i32
        %get3A_107 = arith.index_cast %add3A_106 : i32 to index
        %get3A_108 = tpu.vector_load %arg10[%get3A_107] {strides = array<i32>} : memref<12288xf32, #tpu.memory_space<vmem>>, vector<16xf32>,
        %mul3A_109 = arith.mulf %get3A_73, %get3A_108 : vector<16xf32>
        %add3A_110 = arith.addf %add3A_104, %mul3A_109 : vector<16xf32>
        %add3A_111 = arith.constant 1536 : i32
        %add3A_112 = arith.addi %add3A_111, %multiple_of3A : i32
        %get3A_113 = arith.index_cast %add3A_112 : i32 to index
        %get3A_114 = tpu.vector_load %arg10[%get3A_113] {strides = array<i32>} : memref<12288xf32, #tpu.memory_space<vmem>>, vector<16xf32>,
        %mul3A_115 = arith.mulf %get3A_77, %get3A_114 : vector<16xf32>
        %add3A_116 = arith.addf %add3A_110, %mul3A_115 : vector<16xf32>
        %add3A_117 = arith.constant 2048 : i32
        %add3A_118 = arith.addi %add3A_117, %multiple_of3A : i32
        %get3A_119 = arith.index_cast %add3A_118 : i32 to index
        %get3A_120 = tpu.vector_load %arg10[%get3A_119] {strides = array<i32>} : memref<12288xf32, #tpu.memory_space<vmem>>, vector<16xf32>,
        %mul3A_121 = arith.mulf %get3A_81, %get3A_120 : vector<16xf32>
        %add3A_122 = arith.addf %add3A_116, %mul3A_121 : vector<16xf32>
        %add3A_123 = arith.constant 2560 : i32
        %add3A_124 = arith.addi %add3A_123, %multiple_of3A : i32
        %get3A_125 = arith.index_cast %add3A_124 : i32 to index
        %get3A_126 = tpu.vector_load %arg10[%get3A_125] {strides = array<i32>} : memref<12288xf32, #tpu.memory_space<vmem>>, vector<16xf32>,
        %mul3A_127 = arith.mulf %get3A_85, %get3A_126 : vector<16xf32>
        %add3A_128 = arith.addf %add3A_122, %mul3A_127 : vector<16xf32>
        %add3A_129 = arith.constant 3072 : i32
        %add3A_130 = arith.addi %add3A_129, %multiple_of3A : i32
        %get3A_131 = arith.index_cast %add3A_130 : i32 to index
        %get3A_132 = tpu.vector_load %arg10[%get3A_131] {strides = array<i32>} : memref<12288xf32, #tpu.memory_space<vmem>>, vector<16xf32>,
        %mul3A_133 = arith.mulf %get3A_89, %get3A_132 : vector<16xf32>
        %add3A_134 = arith.addf %add3A_128, %mul3A_133 : vector<16xf32>
        %add3A_135 = arith.constant 3584 : i32
        %add3A_136 = arith.addi %add3A_135, %multiple_of3A : i32
        %get3A_137 = arith.index_cast %add3A_136 : i32 to index
        %get3A_138 = tpu.vector_load %arg10[%get3A_137] {strides = array<i32>} : memref<12288xf32, #tpu.memory_space<vmem>>, vector<16xf32>,
        %mul3A_139 = arith.mulf %get3A_93, %get3A_138 : vector<16xf32>
        %add3A_140 = arith.addf %add3A_134, %mul3A_139 : vector<16xf32>
        %add3A_141 = arith.constant 0 : i32
        %add3A_142 = vector.broadcast %add3A_141 : i32 to vector<16xi32>
        %add3A_143 = arith.addi %mul3A_62, %add3A_142 : vector<16xi32>
        tpu.vector_store_idx %arg11[%add3A_143], %add3A_140 : memref<1536xf32, #tpu.memory_space<vmem>>[vector<16xi32>], vector<16xf32>,
        %add3A_144 = arith.constant 4096 : i32
        %add3A_145 = arith.addi %add3A_144, %multiple_of3A : i32
        %get3A_146 = arith.index_cast %add3A_145 : i32 to index
        %get3A_147 = tpu.vector_load %arg10[%get3A_146] {strides = array<i32>} : memref<12288xf32, #tpu.memory_space<vmem>>, vector<16xf32>,
        %mul3A_148 = arith.mulf %get3A_65, %get3A_147 : vector<16xf32>
        %add3A_149 = arith.constant 4608 : i32
        %add3A_150 = arith.addi %add3A_149, %multiple_of3A : i32
        %get3A_151 = arith.index_cast %add3A_150 : i32 to index
        %get3A_152 = tpu.vector_load %arg10[%get3A_151] {strides = array<i32>} : memref<12288xf32, #tpu.memory_space<vmem>>, vector<16xf32>,
        %mul3A_153 = arith.mulf %get3A_69, %get3A_152 : vector<16xf32>
        %add3A_154 = arith.addf %mul3A_148, %mul3A_153 : vector<16xf32>
        %add3A_155 = arith.constant 5120 : i32
        %add3A_156 = arith.addi %add3A_155, %multiple_of3A : i32
        %get3A_157 = arith.index_cast %add3A_156 : i32 to index
        %get3A_158 = tpu.vector_load %arg10[%get3A_157] {strides = array<i32>} : memref<12288xf32, #tpu.memory_space<vmem>>, vector<16xf32>,
        %mul3A_159 = arith.mulf %get3A_73, %get3A_158 : vector<16xf32>
        %add3A_160 = arith.addf %add3A_154, %mul3A_159 : vector<16xf32>
        %add3A_161 = arith.constant 5632 : i32
        %add3A_162 = arith.addi %add3A_161, %multiple_of3A : i32
        %get3A_163 = arith.index_cast %add3A_162 : i32 to index
        %get3A_164 = tpu.vector_load %arg10[%get3A_163] {strides = array<i32>} : memref<12288xf32, #tpu.memory_space<vmem>>, vector<16xf32>,
        %mul3A_165 = arith.mulf %get3A_77, %get3A_164 : vector<16xf32>
        %add3A_166 = arith.addf %add3A_160, %mul3A_165 : vector<16xf32>
        %add3A_167 = arith.constant 6144 : i32
        %add3A_168 = arith.addi %add3A_167, %multiple_of3A : i32
        %get3A_169 = arith.index_cast %add3A_168 : i32 to index
        %get3A_170 = tpu.vector_load %arg10[%get3A_169] {strides = array<i32>} : memref<12288xf32, #tpu.memory_space<vmem>>, vector<16xf32>,
        %mul3A_171 = arith.mulf %get3A_81, %get3A_170 : vector<16xf32>
        %add3A_172 = arith.addf %add3A_166, %mul3A_171 : vector<16xf32>
        %add3A_173 = arith.constant 6656 : i32
        %add3A_174 = arith.addi %add3A_173, %multiple_of3A : i32
        %get3A_175 = arith.index_cast %add3A_174 : i32 to index
        %get3A_176 = tpu.vector_load %arg10[%get3A_175] {strides = array<i32>} : memref<12288xf32, #tpu.memory_space<vmem>>, vector<16xf32>,
        %mul3A_177 = arith.mulf %get3A_85, %get3A_176 : vector<16xf32>
        %add3A_178 = arith.addf %add3A_172, %mul3A_177 : vector<16xf32>
        %add3A_179 = arith.constant 7168 : i32
        %add3A_180 = arith.addi %add3A_179, %multiple_of3A : i32
        %get3A_181 = arith.index_cast %add3A_180 : i32 to index
        %get3A_182 = tpu.vector_load %arg10[%get3A_181] {strides = array<i32>} : memref<12288xf32, #tpu.memory_space<vmem>>, vector<16xf32>,
        %mul3A_183 = arith.mulf %get3A_89, %get3A_182 : vector<16xf32>
        %add3A_184 = arith.addf %add3A_178, %mul3A_183 : vector<16xf32>
        %add3A_185 = arith.constant 7680 : i32
        %add3A_186 = arith.addi %add3A_185, %multiple_of3A : i32
        %get3A_187 = arith.index_cast %add3A_186 : i32 to index
        %get3A_188 = tpu.vector_load %arg10[%get3A_187] {strides = array<i32>} : memref<12288xf32, #tpu.memory_space<vmem>>, vector<16xf32>,
        %mul3A_189 = arith.mulf %get3A_93, %get3A_188 : vector<16xf32>
        %add3A_190 = arith.addf %add3A_184, %mul3A_189 : vector<16xf32>
        %add3A_191 = arith.constant 1 : i32
        %add3A_192 = vector.broadcast %add3A_191 : i32 to vector<16xi32>
        %add3A_193 = arith.addi %mul3A_62, %add3A_192 : vector<16xi32>
        tpu.vector_store_idx %arg11[%add3A_193], %add3A_190 : memref<1536xf32, #tpu.memory_space<vmem>>[vector<16xi32>], vector<16xf32>,
        %add3A_194 = arith.constant 8192 : i32
        %add3A_195 = arith.addi %add3A_194, %multiple_of3A : i32
        %get3A_196 = arith.index_cast %add3A_195 : i32 to index
        %get3A_197 = tpu.vector_load %arg10[%get3A_196] {strides = array<i32>} : memref<12288xf32, #tpu.memory_space<vmem>>, vector<16xf32>,
        %mul3A_198 = arith.mulf %get3A_65, %get3A_197 : vector<16xf32>
        %add3A_199 = arith.constant 8704 : i32
        %add3A_200 = arith.addi %add3A_199, %multiple_of3A : i32
        %get3A_201 = arith.index_cast %add3A_200 : i32 to index
        %get3A_202 = tpu.vector_load %arg10[%get3A_201] {strides = array<i32>} : memref<12288xf32, #tpu.memory_space<vmem>>, vector<16xf32>,
        %mul3A_203 = arith.mulf %get3A_69, %get3A_202 : vector<16xf32>
        %add3A_204 = arith.addf %mul3A_198, %mul3A_203 : vector<16xf32>
        %add3A_205 = arith.constant 9216 : i32
        %add3A_206 = arith.addi %add3A_205, %multiple_of3A : i32
        %get3A_207 = arith.index_cast %add3A_206 : i32 to index
        %get3A_208 = tpu.vector_load %arg10[%get3A_207] {strides = array<i32>} : memref<12288xf32, #tpu.memory_space<vmem>>, vector<16xf32>,
        %mul3A_209 = arith.mulf %get3A_73, %get3A_208 : vector<16xf32>
        %add3A_210 = arith.addf %add3A_204, %mul3A_209 : vector<16xf32>
        %add3A_211 = arith.constant 9728 : i32
        %add3A_212 = arith.addi %add3A_211, %multiple_of3A : i32
        %get3A_213 = arith.index_cast %add3A_212 : i32 to index
        %get3A_214 = tpu.vector_load %arg10[%get3A_213] {strides = array<i32>} : memref<12288xf32, #tpu.memory_space<vmem>>, vector<16xf32>,
        %mul3A_215 = arith.mulf %get3A_77, %get3A_214 : vector<16xf32>
        %add3A_216 = arith.addf %add3A_210, %mul3A_215 : vector<16xf32>
        %add3A_217 = arith.constant 10240 : i32
        %add3A_218 = arith.addi %add3A_217, %multiple_of3A : i32
        %get3A_219 = arith.index_cast %add3A_218 : i32 to index
        %get3A_220 = tpu.vector_load %arg10[%get3A_219] {strides = array<i32>} : memref<12288xf32, #tpu.memory_space<vmem>>, vector<16xf32>,
        %mul3A_221 = arith.mulf %get3A_81, %get3A_220 : vector<16xf32>
        %add3A_222 = arith.addf %add3A_216, %mul3A_221 : vector<16xf32>
        %add3A_223 = arith.constant 10752 : i32
        %add3A_224 = arith.addi %add3A_223, %multiple_of3A : i32
        %get3A_225 = arith.index_cast %add3A_224 : i32 to index
        %get3A_226 = tpu.vector_load %arg10[%get3A_225] {strides = array<i32>} : memref<12288xf32, #tpu.memory_space<vmem>>, vector<16xf32>,
        %mul3A_227 = arith.mulf %get3A_85, %get3A_226 : vector<16xf32>
        %add3A_228 = arith.addf %add3A_222, %mul3A_227 : vector<16xf32>
        %add3A_229 = arith.constant 11264 : i32
        %add3A_230 = arith.addi %add3A_229, %multiple_of3A : i32
        %get3A_231 = arith.index_cast %add3A_230 : i32 to index
        %get3A_232 = tpu.vector_load %arg10[%get3A_231] {strides = array<i32>} : memref<12288xf32, #tpu.memory_space<vmem>>, vector<16xf32>,
        %mul3A_233 = arith.mulf %get3A_89, %get3A_232 : vector<16xf32>
        %add3A_234 = arith.addf %add3A_228, %mul3A_233 : vector<16xf32>
        %add3A_235 = arith.constant 11776 : i32
        %add3A_236 = arith.addi %add3A_235, %multiple_of3A : i32
        %get3A_237 = arith.index_cast %add3A_236 : i32 to index
        %get3A_238 = tpu.vector_load %arg10[%get3A_237] {strides = array<i32>} : memref<12288xf32, #tpu.memory_space<vmem>>, vector<16xf32>,
        %mul3A_239 = arith.mulf %get3A_93, %get3A_238 : vector<16xf32>
        %add3A_240 = arith.addf %add3A_234, %mul3A_239 : vector<16xf32>
        %add3A_241 = arith.constant 2 : i32
        %add3A_242 = vector.broadcast %add3A_241 : i32 to vector<16xi32>
        %add3A_243 = arith.addi %mul3A_62, %add3A_242 : vector<16xi32>
        tpu.vector_store_idx %arg11[%add3A_243], %add3A_240 : memref<1536xf32, #tpu.memory_space<vmem>>[vector<16xi32>], vector<16xf32>,
      }
      %scan3A_48 = arith.constant 32 : i32
      %mul3A_49 = arith.constant 3 : i32
      %mul3A_50 = arith.muli %add3A_14, %mul3A_49 : i32
      "tpu.region"() ({
        %run_scoped3A = tpu.sem_alloc : memref<!tpu.dma_semaphore, #tpu.memory_space<semaphore_mem>>
        %dma_start3A_51 = tpu.memref_slice %arg6[%mul3A_50] : memref<3145728xf32, #tpu.memory_space<hbm>> -> memref<1536xf32, #tpu.memory_space<hbm>>
        %dma_start3A_52 = tpu.memref_slice %arg6[%mul3A_50] : memref<3145728xf32, #tpu.memory_space<hbm>> -> memref<1536xf32, #tpu.memory_space<hbm>>
        tpu.enqueue_dma source(%arg11 : memref<1536xf32, #tpu.memory_space<vmem>>) target(%dma_start3A_52 : memref<1536xf32, #tpu.memory_space<hbm>>) target_semaphore(%run_scoped3A : memref<!tpu.dma_semaphore, #tpu.memory_space<semaphore_mem>>)
        %dma_wait3A_53 = tpu.memref_slice %arg6[%mul3A_50] : memref<3145728xf32, #tpu.memory_space<hbm>> -> memref<1536xf32, #tpu.memory_space<hbm>>
        %dma_wait3A_54 = tpu.memref_slice %arg6[%mul3A_50] : memref<3145728xf32, #tpu.memory_space<hbm>> -> memref<1536xf32, #tpu.memory_space<hbm>>
        tpu.wait_dma2 semaphore(%run_scoped3A : memref<!tpu.dma_semaphore, #tpu.memory_space<semaphore_mem>>) src(%arg11 : memref<1536xf32, #tpu.memory_space<vmem>>) dst(%dma_wait3A_54 : memref<1536xf32, #tpu.memory_space<hbm>>)
        tpu.yield
      }) : () -> ()
    }
    %scan3A_6 = arith.constant 64 : i32
    return
  }
}

</mosaic_0001>

<sc_bundles>
// kernel: kernel.3.cloned.1.call-start
scs
__scs_entry_jumppad:
0x0: {  	(pc) =	sbr.rel $0x88, $3  }
0x1: {  	(tag) =	ssettag $0x0;
	lr =	simm.s32 $0x1  }
0x2: {  	[smem:$0x3F9F] =	sst lr;
	_ =	strace $0xD0000000  }
0x3: {  	_ = 	snop  }
0x4: {  	_ = 	snop  }
0x5: {  	_ = 	snop  }
0x6: {  	_ = 	snop  }
0x7: {  	_ = 	snop  }
__scs_overlays_trampoline_lowered:
0x8: {  	[smem:$0x3FAE] =	sst s0  }
0x9: {  	[smem:$0x3FAF] =	sst s1  }
0xa: {  	[smem:$0x3FB0] =	sst s2  }
0xb: {  	[smem:$0x3FB1] =	sst s3  }
0xc: {  	[smem:$0x3FB2] =	sst s4  }
0xd: {  	[smem:$0x3FB3] =	sst s5  }
0xe: {  	[smem:$0x3FB4] =	sst s6  }
0xf: {  	[smem:$0x3FB5] =	sst s7  }
0x10: {  	[smem:$0x3FB6] =	sst s8  }
0x11: {  	[smem:$0x3FB7] =	sst s9;
	s0 =	simm.s32 @!p0 $0x0  }
0x12: {  	s1 =	sld [smem:$0x3F9D];
	s0 =	simm.s32 @p0 $0x1  }
0x13: {  	[smem:$0x3FB8] =	sst s0;
	s0 =	simm.s32 @!p1 $0x0  }
0x14: {  	s2 =	sld [smem:$0x3F9C];
	s0 =	simm.s32 @p1 $0x1  }
0x15: {  	[smem:$0x3FB9] =	sst s0;
	s0 =	simm.s32 @!p2 $0x0  }
0x16: {  	s3 =	sld [smem:$0x3FDB];
	s0 =	simm.s32 @p2 $0x1  }
0x17: {  	s4 =	simm.s32 $0x1BF5;
	[smem:$0x3FBB] =	sst s0  }
0x18: {  	s0 =	sld [smem:$0x3F9E];
	_ =	swait.ge [sflag:s4], $0x0  }
0x19: {  	s7 =	sld [smem:$0x3F9F]  }
0x1a: {  	s8 =	sadd.s32 $0xFFFFE003, lr  }
0x1b: {  	s9 =	sadd.s32 $0xFFFFFEF7, lr;
	s5 =	simm.s32 $0xFFFFFFFF;
	p2 =	slt.u32 s8, $0xFFFFF086  }
0x1c: {  	p1 =	slt.u32 s9, $0xF7A;
	s5 =	simm.s32 @!p2 $0x0  }
0x1d: {  	s5 =	simm.s32 @p1 $0x1;
	p0 =	seq.s32 s7, s2  }
0x1e: {  	s7 =	smul.u32 @!p0 $0xF7A, s2;
	p2 =	seq.s32 @!p0 s5, $0x0  }
0x1f: {  	s9 =	smul.u32 $0xF7A, s1;
	s8 =	simm.s32 @!p0 $0x1BF5;
	p2 =	por !p2, p0  }
0x20: {  	[sflag:s8] =	ssyncset.s32 @!p0 $0xFFFFF086;
	s6 =	sadd.s32 @!p0 s3, s7;
	s7 =	simm.s32 @!p0 $0x108  }
0x21: {  	s3 =	sadd.s32 s3, s9;
	s6 =	sadd.s32 @!p0 $0x88, s6;
	s7 =	simm.s32 @p2 $0x1082  }
0x22: {  	[simem:s7], [sflag:s8] =	dma.local @!p0 [hbm:s6], $0xF7A  }
0x23: {  	s9 =	sor.u32 $0xD0000000, s2;
	s6 =	simm.s32 $0x108;
	_ =	swait.ge @!p0 [sflag:s8], $0x0  }
0x24: {  	s3 =	sadd.s32 $0x88, s3;
	s6 =	simm.s32 @!p1 $0x1082;
	[sflag:s4] =	ssyncset.s32 $0xFFFFF086  }
0x25: {  	[simem:s6], [sflag:s4] =	dma.local [hbm:s3], $0xF7A  }
0x26: {  	[smem:$0x3F9F] =	sst s1;
	(tag) =	ssettag s2;
	_ =	strace s9  }
0x27: {  	s1 =	sld [smem:$0x3FAF]  }
0x28: {  	s2 =	sld [smem:$0x3FB0]  }
0x29: {  	s4 =	sld [smem:$0x3FB2]  }
0x2a: {  	p0 =	seq.s32 s5, $0x0;
	s5 =	sld [smem:$0x3FB3]  }
0x2b: {  	s6 =	sld [smem:$0x3FB4]  }
0x2c: {  	s7 =	sld [smem:$0x3FB5]  }
0x2d: {  	s3 =	simm.s32 $0x108;
	s8 =	sld [smem:$0x3FB6]  }
0x2e: {  	s3 =	simm.s32 @!p0 $0x1082;
	s9 =	sld [smem:$0x3FB7]  }
0x2f: {  	lr =	sadd.s32 s0, s3;
	s0 =	sld [smem:$0x3FAE]  }
0x30: {  	s3 =	sld [smem:$0x3FB1]  }
0x31: {  	[smem:$0x3FBA] =	sst s10  }
0x32: {  	s10 =	sld [smem:$0x3FB8];
	_ =	sdelay $0x3  }
0x33: {  	p0 =	seq.s32 s10, $0x1;
	s10 =	sld [smem:$0x3FBA];
	_ =	sdelay $0x3  }
0x34: {  	[smem:$0x3FBA] =	sst s10  }
0x35: {  	s10 =	sld [smem:$0x3FB9];
	_ =	sdelay $0x3  }
0x36: {  	p1 =	seq.s32 s10, $0x1;
	s10 =	sld [smem:$0x3FBA];
	_ =	sdelay $0x3  }
0x37: {  	[smem:$0x3FBA] =	sst s10  }
0x38: {  	s10 =	sld [smem:$0x3FBB]  }
0x39: {  	_ = 	snop;
	(pc) =	sbr.ind lr, $3  }
0x3a: {  	_ = 	snop  }
0x3b: {  	_ = 	snop  }
0x3c: {  	p2 =	seq.s32 s10, $0x1;
	s10 =	sld [smem:$0x3FBA]  }
0x3d: {  	_ =	shalt  }
0x3e: {  	_ =	shalt  }
0x3f: {  	_ =	shalt  }
0x40: {  	_ =	shalt  }
0x41: {  	_ =	shalt  }
0x42: {  	_ =	shalt  }
0x43: {  	_ =	shalt  }
0x44: {  	_ =	shalt  }
0x45: {  	_ =	shalt  }
0x46: {  	_ =	shalt  }
0x47: {  	_ =	shalt  }
0x48: {  	_ =	shalt  }
0x49: {  	_ =	shalt  }
0x4a: {  	_ =	shalt  }
0x4b: {  	_ =	shalt  }
0x4c: {  	_ =	shalt  }
0x4d: {  	_ =	shalt  }
0x4e: {  	_ =	shalt  }
0x4f: {  	_ =	shalt  }
0x50: {  	_ =	shalt  }
0x51: {  	_ =	shalt  }
0x52: {  	_ =	shalt  }
0x53: {  	_ =	shalt  }
0x54: {  	_ =	shalt  }
0x55: {  	_ =	shalt  }
0x56: {  	_ =	shalt  }
0x57: {  	_ =	shalt  }
0x58: {  	_ =	shalt  }
0x59: {  	_ =	shalt  }
0x5a: {  	_ =	shalt  }
0x5b: {  	_ =	shalt  }
0x5c: {  	_ =	shalt  }
0x5d: {  	_ =	shalt  }
0x5e: {  	_ =	shalt  }
0x5f: {  	_ =	shalt  }
0x60: {  	_ =	shalt  }
0x61: {  	_ =	shalt  }
0x62: {  	_ =	shalt  }
0x63: {  	_ =	shalt  }
0x64: {  	_ =	shalt  }
0x65: {  	_ =	shalt  }
0x66: {  	_ =	shalt  }
0x67: {  	_ =	shalt  }
0x68: {  	_ =	shalt  }
0x69: {  	_ =	shalt  }
0x6a: {  	_ =	shalt  }
0x6b: {  	_ =	shalt  }
0x6c: {  	_ =	shalt  }
0x6d: {  	_ =	shalt  }
0x6e: {  	_ =	shalt  }
0x6f: {  	_ =	shalt  }
0x70: {  	_ =	shalt  }
0x71: {  	_ =	shalt  }
0x72: {  	_ =	shalt  }
0x73: {  	_ =	shalt  }
0x74: {  	_ =	shalt  }
0x75: {  	_ =	shalt  }
0x76: {  	_ =	shalt  }
0x77: {  	_ =	shalt  }
0x78: {  	_ =	shalt  }
0x79: {  	_ =	shalt  }
0x7a: {  	_ =	shalt  }
0x7b: {  	_ =	shalt  }
0x7c: {  	_ =	shalt  }
0x7d: {  	_ =	shalt  }
0x7e: {  	_ =	shalt  }
0x7f: {  	_ =	shalt  }
0x80: {  	_ =	shalt  }
0x81: {  	_ =	shalt  }
0x82: {  	_ =	shalt  }
0x83: {  	_ =	shalt  }
0x84: {  	_ =	shalt  }
0x85: {  	_ =	shalt  }
0x86: {  	_ =	shalt  }
0x87: {  	_ =	shalt  }
.Lfunc_end0:
.L_simem_size_0:
called_computation_lowered:
.L_overlay_start_0:
0x88: {  	s2 =	sld [smem:$0x3FD9]  }
0x89: {  	s3 =	sld [smem:$0x3FFE];
	_ =	sdelay $0x1  }
0x8a: {  	s1 =	srdreg.scid  }
0x8b: {  	s0 =	sand.u32 $0x1, s1  }
0x8c: {  	s17 =	sshll.u32 s0, $0xA;
	s2 =	sadd.s32 s3, s2  }
0x8d: {  	s2 =	sadd.s32 s2, s17  }
0x8e: {  	[smem:$0x3FC6] =	sst s2  }
0x8f: {  	_ = 	snop  }
0x90: {  	s2 =	sld [smem:$0x3FD0];
	(tm) =	ssettm $0x1  }
0x91: {  	s18 =	sld [smem:$0x3FFB];
	_ =	sdelay $0x3  }
0x92: {  	_ =	strace s18  }
0x93: {  	s3 =	sld [smem:$0x3FFC];
	_ =	sdelay $0x3  }
0x94: {  	_ =	strace s3  }
0x95: {  	s3 =	sld [smem:$0x3FFD];
	_ =	sdelay $0x3  }
0x96: {  	_ =	strace s3  }
0x97: {  	_ =	strace $0x8FFFFFFF  }
0x98: {  	s19 =	sld [smem:$0x3FDB];
	_ =	sdelay $0x1  }
0x99: {  	s4 =	simm.s32 $_scs_section_size  }
0x9a: {  	s5 =	simm.s32 $_size__tile_overlayer_lowered;
	s6 =	simm.s32 $_tile_overlayer_lowered  }
0x9b: {  	s22 =	simm.s32 $0x1BFF;
	s21 =	sshll.u32 s6, $0x1;
	s3 =	sadd.s32 s4, s19  }
0x9c: {  	s7 =	simm.s32 $0x0;
	s20 =	sshll.u32 s5, $0x1;
	s5 =	sadd.s32 s21, s3  }
0x9d: {  	[timem:s7], [sflag:s22] =	dma.local [hbm:s5], s20  }
0x9e: {  	_ =	swait.ge [sflag:s22], s20  }
0x9f: {  	s4 =	ssub.s32 $0x0, s20;
	[sflag:s22] =	ssyncset.done $0x0  }
0xa0: {  	[sflag:s22] =	ssyncadd.s32 s4;
	_ =	sdelay $0x1  }
0xa1: {  	s23 =	simm.s32 $0x1B8B  }
0xa2: {  	_ =	swait.ge [sflag:s23], $0x1  }
0xa3: {  	[sflag:s23] =	ssyncset.done $0x0  }
0xa4: {  	s25 =	simm.s32 $0x1B8E;
	s24 =	sld [smem:$0x3FFE];
	[sflag:s23] =	ssyncadd.s32 $0xFFFFFFFF  }
0xa5: {  	s26 =	simm.s32 $execute0_lowered;
	[smem:$0x3FD2] =	sst s25  }
0xa6: {  	s5 =	sshll.u32 s26, $0x1;
	_ =	strace $0x80000046;
	[dreg:$0x1] =	wrdreg $0xFFFFFFFF  }
0xa7: {  	s28 =	simm.s32 $_size_execute0_lowered;
	s3 =	sadd.s32 s3, s5;
	[dreg:$0x0] =	wrdreg $0x0  }
0xa8: {  	s5 =	sshll.u32 s28, $0x1;
	[dreg:$0x2] =	wrdreg s3  }
0xa9: {  	[dreg:$0x3] =	wrdreg s5  }
0xaa: {  	[dreg:$0x4] =	wrdreg $0xC0  }
0xab: {  	_ =	task [dreg:s7], $0x5FFFF  }
0xac: {  	[dreg:$0x1] =	wrdreg $0xFFFFFFFF  }
0xad: {  	[dreg:$0x0] =	wrdreg $0x60  }
0xae: {  	[dreg:$0x2] =	wrdreg s2  }
0xaf: {  	[dreg:$0x3] =	wrdreg s24  }
0xb0: {  	[dreg:$0x4] =	wrdreg $0x9  }
0xb1: {  	_ =	task.clear_ibuf [dreg:s7], $0x5FFFF;
	_ =	strace $0x90000046  }
0xb2: {  	s29 =	simm.s32 $0x9;
	_ =	strace $0x80000048  }
0xb3: {  	_ =	swait.ge [sflag:s29], $0x1  }
0xb4: {  	[sflag:s29] =	ssyncadd.s32 $0xFFFFFFFF  }
0xb5: {  	_ =	strace $0x90000048  }
0xb6: {  	_ =	sfence  }
0xb7: {  	s30 =	sld [smem:$0x0];
	_ =	sdelay $0x2  }
0xb8: {  	s31 =	sshll.u32 s1, $0xD;
	s1 =	sshrl.u32 s1, $0x2  }
0xb9: {  	s3 =	sand.u32 $0x4000, s31;
	s1 =	sadd.s32 s1, s30  }
0xba: {  	s0 =	sor.u32 s3, s0;
	s1 =	sshll.u32 s1, $0x11  }
0xbb: {  	s0 =	sor.u32 s1, s0  }
0xbc: {  	s0 =	sadd.s32 $0x8F2B, s0  }
0xbd: {  	[sflag:s0] =	ssyncadd.remote.s32 $0x1  }
0xbe: {  	_ =	sfence.sel $0xFFFF  }
0xbf: {  	[dreg:$0x0] =	wrdreg $0xFFFFFFFF;
	(pc) =	sbr.abs _section_cstart, $3  }
0xc0: {  	[dreg:$0x1] =	wrdreg $0xFFFFFFFF  }
0xc1: {  	_ =	task.clear_ibuf [dreg:s7], $0x2FFFF;
	_ =	strace $0x9FFFFFFF  }
0xc2: {  	(tm) =	ssettm $0x7FFFFFFF  }
0xc3: {  	_ =	shalt  }
tec
execute0_lowered:
.L_overlay_start_1:
0x0: {  	(tag) =	ssettag $0x1  }
0x1: {  	s1 =	rddreg [dreg:$0x0]  }
0x2: {  	s7 =	rddreg [dreg:$0x1]  }
0x3: {  	s0 =	rddreg [dreg:$0x2];
	s2 =	simm.s32 $0x0;
	s3 =	srdreg.scid  }
0x4: {  	s11 =	simm.s32 $0x1000;
	s12 =	simm.s32 $0x600;
	s13 =	simm.s32 $0x2600  }
0x5: {  	s14 =	simm.s32 $0x3600;
	s15 =	simm.s32 $0x4600;
	s16 =	simm.s32 $0x1  }
0x6: {  	s17 =	simm.s32 $0x5600;
	s18 =	simm.s32 $0x0;
	[smem:$0x7FF] =	sst s2  }
0x7: {  	s8 =	sand.u32 $0x1, s3;
	s4 =	sadd.s32 $0x1600, s7;
	s5 =	sadd.s32 $0x81600, s7  }
0x8: {  	v0 =	vlaneseq.u32;
	s6 =	sadd.s32 $0x41600, s7;
	s3 =	stileid.u32;
	s9 =	ssub.s32 $0x2, s8  }
0x9: {  	s7 =	sadd.s32 $0xC1600, s7;
	v0 =	vmul.u32 $0x3, v0;
	_ =	strace $0x80000047;
	s10 =	sshrl.u32 s9, $0x1  }
0xa: {  	s31 =	sshll.u32 s3, $0x10;
	s8 =	sshll.u32 s8, $0xF;
	s9 =	ssub.s32 s9, s10  }
0xb: {  	s8 =	sor.u32 s8, s31;
	v1 =	vadd.s32 $0x1, v0;
	v2 =	vadd.s32 $0x2, v0;
	s10 =	simm.s32 $0x2;
	s9 =	smax.u32 s9, $0x1  }
.LBB2_1:
0xc: {  	s19 =	simm.s32 $0x0  }
.LBB2_2:
0xd: {  	s21 =	simm.s32 $0x0  }
0xe: {  	s20 =	sshll.u32 s19, $0x9;
	v3 =	vmov s21  }
0xf: {  	s20 =	sadd.s32 s8, s20;
	v3 =	vmul.u32 $0x3, v3  }
0x10: {  	s20 =	smul.u32 $0x3, s20  }
0x11: {  	v3 =	vbroadcast v3, $0x0  }
0x12: {  	s20 =	sshrl.u32 s20, $0x3  }
0x13: {  	s22 =	sadd.s32 s1, s20;
	v4 =	vadd.s32 v0, v3  }
0x14: {  	[tilespmem:s21], [sflag:$0x2] =	stream.linear.gather [hbm4b:s22+s21], $0x600, $0x38;
	v5 =	vadd.s32 v1, v3;
	[tilespmem:$0x5C00] =	vst v63  }
0x15: {  	v3 =	vadd.s32 v2, v3;
	_ =	swait.ge [sflag:s10], $0x600  }
0x16: {  	[sflag:s10] =	ssyncset.done $0x0  }
0x17: {  	[sflag:s10] =	ssyncadd.s32 $0xFFFFFA00  }
0x18: {  	v4 =	vld.idx.msk [tilespmem:v4+s2+$0x0], $0xffff  }
0x19: {  	v5 =	vld.idx.msk [tilespmem:v5+s2+$0x0], $0xffff  }
0x1a: {  	v3 =	vld.idx.msk [tilespmem:v3+s2+$0x0], $0xffff;
	_ =	sdelay $0x3  }
0x1b: {  	v4 =	vmul.f32 $1.270000000e+02, v4  }
0x1c: {  	v5 =	vmul.f32 $1.270000000e+02, v5;
	v3 =	vmul.f32 $1.270000000e+02, v3  }
0x1d: {  	v6 =	vtrunc.f32 v4  }
0x1e: {  	v7 =	vtrunc.f32 v5;
	v8 =	vtrunc.f32 v3  }
0x1f: {  	v6 =	vcvt.f32.s32 v6;
	v7 =	vcvt.f32.s32 v7  }
0x20: {  	v8 =	vcvt.f32.s32 v8  }
0x21: {  	vm0 =	vlt.s32 v6, $0x7E;
	vm1 =	vlt.s32 v7, $0x7E  }
0x22: {  	vm15 =	vlt.s32 v8, $0x7E;
	v6 =	vnsel vm0, $0x7E, v6;
	v7 =	vnsel vm1, $0x7E, v7  }
0x23: {  	v8 =	vnsel vm15, $0x7E, v8;
	v9 =	vcvt.s32.f32 v6;
	v10 =	vcvt.s32.f32 v7  }
0x24: {  	v11 =	vcvt.s32.f32 v8  }
0x25: {  	v4 =	vsub.f32 v4, v9;
	v5 =	vsub.f32 v5, v10  }
0x26: {  	v3 =	vsub.f32 v3, v11  }
0x27: {  	v9 =	vsub.f32 $1.000000000e+00, v4;
	v10 =	vsub.f32 $1.000000000e+00, v5  }
0x28: {  	v7 =	vshll.u32 v7, $0x7  }
0x29: {  	v6 =	vshll.u32 v6, $0xE;
	v11 =	vsub.f32 $1.000000000e+00, v3;
	v12 =	vmul.f32 v10, v9  }
0x2a: {  	v6 =	vadd.s32 v6, v7  }
0x2b: {  	s21 =	simm.s32 $0xE00;
	v7 =	vadd.s32 v8, v6;
	v6 =	vmul.f32 v11, v12  }
0x2c: {  	s22 =	simm.s32 $0x1E00;
	[tilespmem:s21+$0xFFFFF800] =	vst v7  }
0x2d: {  	v8 =	vmul.f32 v5, v9;
	v59 =	vmul.f32 v12, v3;
	[tilespmem:s22+$0xFFFFF800] =	vst v6;
	v6 =	vadd.s32 $0x1, v7  }
0x2e: {  	[tilespmem:s21+$0xFFFFFA00] =	vst v6  }
0x2f: {  	v60 =	vadd.s32 $0x80, v7;
	v6 =	vmul.f32 v11, v8;
	[tilespmem:s22+$0xFFFFFA00] =	vst v59  }
0x30: {  	[tilespmem:s21+$0xFFFFFC00] =	vst v60  }
0x31: {  	v61 =	vmul.f32 v10, v4;
	v8 =	vmul.f32 v3, v8;
	[tilespmem:s22+$0xFFFFFC00] =	vst v6;
	v6 =	vadd.s32 $0x81, v7  }
0x32: {  	s23 =	simm.s32 $0x10;
	[tilespmem:s21+$0xFFFFFE00] =	vst v6  }
0x33: {  	v62 =	vmov s23;
	v6 =	vmul.f32 v11, v61;
	[tilespmem:s22+$0xFFFFFE00] =	vst v8;
	v8 =	vadd.s32 $0x4000, v7  }
0x34: {  	v10 =	vmul.u32 $0x3, v62;
	[tilespmem:s21+$0x0] =	vst v8  }
0x35: {  	v4 =	vmul.f32 v5, v4;
	v5 =	vmul.f32 v61, v3;
	[tilespmem:s22+$0x0] =	vst v6;
	v6 =	vadd.s32 $0x4001, v7  }
0x36: {  	v8 =	vbroadcast v10, $0x0;
	[tilespmem:s21+$0x200] =	vst v6  }
0x37: {  	v63 =	vmul.f32 v11, v4;
	v6 =	vadd.s32 $0x4080, v7;
	[tilespmem:s22+$0x200] =	vst v5  }
0x38: {  	v3 =	vmul.f32 v3, v4;
	v4 =	vadd.s32 v0, v8;
	[tilespmem:s21+$0x400] =	vst v6  }
0x39: {  	s26 =	simm.s32 $0x20;
	s23 =	simm.s32 $0x1E00;
	v7 =	vadd.s32 $0x4081, v7;
	v5 =	vadd.s32 v2, v8;
	v6 =	vadd.s32 v1, v8;
	[tilespmem:s22+$0x400] =	vst v63  }
.LBB2_3:
0x3a: {  	[tilespmem:s21+$0x600] =	vst v7;
	s21 =	sadd.s32 $0x10, s21  }
0x3b: {  	s22 =	sadd.s32 $0x10, s22;
	s25 =	smov.u32 s26;
	s24 =	sadd.s32 $0x10, s26  }
0x3c: {  	p0 =	sne.s32 s26, $0x1F0;
	[tilespmem:s23+$0x600] =	vst v3;
	s23 =	smov.u32 s22  }
0x3d: {  	v3 =	vld.idx.msk [tilespmem:v4+s2+$0x0], $0xffff  }
0x3e: {  	v4 =	vld.idx.msk [tilespmem:v6+s2+$0x0], $0xffff  }
0x3f: {  	v5 =	vld.idx.msk [tilespmem:v5+s2+$0x0], $0xffff;
	_ =	sdelay $0x3  }
0x40: {  	v3 =	vmul.f32 $1.270000000e+02, v3  }
0x41: {  	v4 =	vmul.f32 $1.270000000e+02, v4  }
0x42: {  	v5 =	vmul.f32 $1.270000000e+02, v5;
	v6 =	vtrunc.f32 v3  }
0x43: {  	v6 =	vcvt.f32.s32 v6;
	v7 =	vtrunc.f32 v4  }
0x44: {  	v7 =	vcvt.f32.s32 v7;
	v8 =	vtrunc.f32 v5  }
0x45: {  	vm0 =	vlt.s32 v6, $0x7E;
	v8 =	vcvt.f32.s32 v8  }
0x46: {  	v6 =	vnsel vm0, $0x7E, v6;
	vm0 =	vlt.s32 v7, $0x7E  }
0x47: {  	v7 =	vnsel vm0, $0x7E, v7;
	vm0 =	vlt.s32 v8, $0x7E;
	v9 =	vcvt.s32.f32 v6  }
0x48: {  	v8 =	vnsel vm0, $0x7E, v8;
	v10 =	vcvt.s32.f32 v7;
	v7 =	vshll.u32 v7, $0x7  }
0x49: {  	v6 =	vshll.u32 v6, $0xE;
	v3 =	vsub.f32 v3, v9;
	v9 =	vcvt.s32.f32 v8  }
0x4a: {  	v6 =	vadd.s32 v6, v7;
	v4 =	vsub.f32 v4, v10  }
0x4b: {  	v8 =	vadd.s32 v8, v6;
	v5 =	vsub.f32 v5, v9;
	v7 =	vsub.f32 $1.000000000e+00, v3  }
0x4c: {  	v6 =	vsub.f32 $1.000000000e+00, v4;
	v9 =	vmul.f32 v4, v3  }
0x4d: {  	v10 =	vsub.f32 $1.000000000e+00, v5;
	v4 =	vmul.f32 v4, v7  }
0x4e: {  	v7 =	vmul.f32 v6, v7;
	v3 =	vmul.f32 v6, v3  }
0x4f: {  	v6 =	vmul.f32 v10, v4;
	v4 =	vmul.f32 v5, v4  }
0x50: {  	v11 =	vmul.f32 v10, v7;
	v7 =	vmul.f32 v7, v5  }
0x51: {  	v12 =	vmul.f32 v10, v3;
	v13 =	vmul.f32 v3, v5;
	[tilespmem:s21+$0xFFFFF800] =	vst v8  }
0x52: {  	v3 =	vmul.f32 v5, v9;
	[tilespmem:s22+$0xFFFFF800] =	vst v11;
	v11 =	vadd.s32 $0x1, v8  }
0x53: {  	[tilespmem:s21+$0xFFFFFA00] =	vst v11  }
0x54: {  	v5 =	vadd.s32 $0x80, v8;
	[tilespmem:s22+$0xFFFFFA00] =	vst v7  }
0x55: {  	[tilespmem:s21+$0xFFFFFC00] =	vst v5  }
0x56: {  	v5 =	vadd.s32 $0x81, v8;
	[tilespmem:s22+$0xFFFFFC00] =	vst v6  }
0x57: {  	v6 =	vmov s25;
	[tilespmem:s21+$0xFFFFFE00] =	vst v5  }
0x58: {  	v5 =	vmul.u32 $0x3, v6;
	[tilespmem:s22+$0xFFFFFE00] =	vst v4;
	v4 =	vadd.s32 $0x4000, v8  }
0x59: {  	[tilespmem:s21+$0x0] =	vst v4  }
.Ltmp0:
0x5a: {  	v5 =	vbroadcast v5, $0x0;
	v4 =	vadd.s32 $0x4001, v8;
	[tilespmem:s22+$0x0] =	vst v12;
	(pc) =	sbr.rel @p0 .LBB2_3-.Ltmp0, $4  }
0x5b: {  	v9 =	vmul.f32 v10, v9;
	v7 =	vadd.s32 $0x4080, v8;
	[tilespmem:s21+$0x200] =	vst v4  }
0x5c: {  	v4 =	vadd.s32 v0, v5;
	v6 =	vadd.s32 v1, v5;
	v5 =	vadd.s32 v2, v5;
	[tilespmem:s22+$0x200] =	vst v13  }
0x5d: {  	[tilespmem:s21+$0x400] =	vst v7  }
0x5e: {  	s26 =	smov.u32 s24;
	v7 =	vadd.s32 $0x4081, v8;
	[tilespmem:s22+$0x400] =	vst v9  }
0x5f: {  	_ =	sdelay $0x1  }
0x60: {  	[tilespmem:s21+$0x600] =	vst v7  }
0x61: {  	[tilespmem:s23+$0x600] =	vst v3  }
0x62: {  	v3 =	vld.idx.msk [tilespmem:v4+s2+$0x0], $0xffff  }
0x63: {  	v4 =	vld.idx.msk [tilespmem:v6+s2+$0x0], $0xffff  }
0x64: {  	v5 =	vld.idx.msk [tilespmem:v5+s2+$0x0], $0xffff;
	_ =	sdelay $0x3  }
0x65: {  	v3 =	vmul.f32 $1.270000000e+02, v3  }
0x66: {  	v4 =	vmul.f32 $1.270000000e+02, v4;
	v5 =	vmul.f32 $1.270000000e+02, v5  }
0x67: {  	v6 =	vtrunc.f32 v3  }
0x68: {  	v7 =	vtrunc.f32 v4;
	v8 =	vtrunc.f32 v5  }
0x69: {  	v6 =	vcvt.f32.s32 v6;
	v7 =	vcvt.f32.s32 v7  }
0x6a: {  	v8 =	vcvt.f32.s32 v8  }
0x6b: {  	vm0 =	vlt.s32 v6, $0x7E;
	vm1 =	vlt.s32 v7, $0x7E  }
0x6c: {  	vm15 =	vlt.s32 v8, $0x7E;
	v6 =	vnsel vm0, $0x7E, v6;
	v7 =	vnsel vm1, $0x7E, v7  }
0x6d: {  	v8 =	vnsel vm15, $0x7E, v8;
	v9 =	vcvt.s32.f32 v6;
	v10 =	vcvt.s32.f32 v7  }
0x6e: {  	v11 =	vcvt.s32.f32 v8  }
0x6f: {  	v3 =	vsub.f32 v3, v9;
	v4 =	vsub.f32 v4, v10  }
0x70: {  	v5 =	vsub.f32 v5, v11  }
0x71: {  	v9 =	vsub.f32 $1.000000000e+00, v3;
	v10 =	vsub.f32 $1.000000000e+00, v4  }
0x72: {  	v7 =	vshll.u32 v7, $0x7  }
0x73: {  	v6 =	vshll.u32 v6, $0xE;
	v11 =	vsub.f32 $1.000000000e+00, v5;
	v12 =	vmul.f32 v10, v9  }
0x74: {  	v6 =	vadd.s32 v6, v7  }
0x75: {  	s30 =	sadd.s32 $0x10, s21;
	v6 =	vadd.s32 v8, v6;
	v7 =	vmul.f32 v11, v12  }
0x76: {  	s22 =	sadd.s32 $0x10, s22;
	[tilespmem:s30+$0xFFFFF800] =	vst v6  }
0x77: {  	v42 =	vmul.f32 v4, v9;
	v43 =	vmul.f32 v12, v5;
	[tilespmem:s22+$0xFFFFF800] =	vst v7;
	v7 =	vadd.s32 $0x1, v6  }
0x78: {  	[tilespmem:s30+$0xFFFFFA00] =	vst v7  }
0x79: {  	v44 =	vadd.s32 $0x80, v6;
	v7 =	vmul.f32 v11, v42;
	[tilespmem:s22+$0xFFFFFA00] =	vst v43  }
0x7a: {  	[tilespmem:s30+$0xFFFFFC00] =	vst v44  }
0x7b: {  	v45 =	vmul.f32 v10, v3;
	v8 =	vmul.f32 v5, v42;
	[tilespmem:s22+$0xFFFFFC00] =	vst v7;
	v7 =	vadd.s32 $0x81, v6  }
0x7c: {  	[tilespmem:s30+$0xFFFFFE00] =	vst v7  }
0x7d: {  	v46 =	vadd.s32 $0x4000, v6;
	v7 =	vmul.f32 v11, v45;
	[tilespmem:s22+$0xFFFFFE00] =	vst v8  }
0x7e: {  	[tilespmem:s30+$0x0] =	vst v46  }
0x7f: {  	v3 =	vmul.f32 v4, v3;
	v4 =	vmul.f32 v45, v5;
	[tilespmem:s22+$0x0] =	vst v7;
	v7 =	vadd.s32 $0x4001, v6  }
0x80: {  	[tilespmem:s30+$0x200] =	vst v7  }
0x81: {  	v47 =	vmul.f32 v11, v3;
	v7 =	vadd.s32 $0x4080, v6;
	[tilespmem:s22+$0x200] =	vst v4  }
0x82: {  	[tilespmem:s30+$0x400] =	vst v7  }
0x83: {  	v3 =	vmul.f32 v5, v3;
	v4 =	vadd.s32 $0x4081, v6;
	[tilespmem:s22+$0x400] =	vst v47  }
0x84: {  	[tilespmem:s30+$0x600] =	vst v4  }
0x85: {  	[tilespmem:s22+$0x600] =	vst v3  }
0x86: {  	[tilespmem:s13], [sflag:$0x1] =	stream.indirect.gather [hbm4b:s4+s11], $0x1, s12, s11, $0xb8;
	[tilespmem:$0x5C00] =	vst v63  }
0x87: {  	_ = 	snop  }
0x88: {  	[tilespmem:s14], [sflag:$0x1] =	stream.indirect.gather [hbm4b:s5+s11], $0x1, s12, s11, $0xb8;
	[tilespmem:$0x5C00] =	vst v63  }
0x89: {  	_ = 	snop  }
0x8a: {  	[tilespmem:s15], [sflag:$0x1] =	stream.indirect.gather [hbm4b:s6+s11], $0x1, s12, s11, $0xb8;
	[tilespmem:$0x5C00] =	vst v63  }
0x8b: {  	_ =	swait.ge [sflag:s16], $0x1000  }
0x8c: {  	[sflag:s16] =	ssyncset.done $0x0  }
0x8d: {  	[sflag:s16] =	ssyncadd.s32 $0xFFFFF000  }
0x8e: {  	_ =	swait.ge [sflag:s16], $0x1000  }
0x8f: {  	[sflag:s16] =	ssyncset.done $0x0  }
0x90: {  	[sflag:s16] =	ssyncadd.s32 $0xFFFFF000  }
0x91: {  	_ =	swait.ge [sflag:s16], $0x1000  }
0x92: {  	[sflag:s16] =	ssyncset.done $0x0  }
0x93: {  	s21 =	simm.s32 $0x1E00;
	[sflag:s16] =	ssyncadd.s32 $0xFFFFF000  }
0x94: {  	s22 =	simm.s32 $0x2E00;
	v3 =	vld [tilespmem:s21+$0xFFFFF800]  }
0x95: {  	v4 =	vld [tilespmem:s22+$0xFFFFF800]  }
0x96: {  	v5 =	vld [tilespmem:s22+$0xFFFFFA00]  }
0x97: {  	v6 =	vld [tilespmem:s21+$0xFFFFFA00]  }
0x98: {  	v7 =	vld [tilespmem:s22+$0xFFFFFC00]  }
0x99: {  	v48 =	vld [tilespmem:s21+$0xFFFFFC00]  }
0x9a: {  	v49 =	vld [tilespmem:s22+$0xFFFFFE00]  }
0x9b: {  	v50 =	vld [tilespmem:s21+$0xFFFFFE00]  }
0x9c: {  	v51 =	vld [tilespmem:s22+$0x0];
	v4 =	vmul.f32 v4, v3;
	v5 =	vmul.f32 v5, v6  }
0x9d: {  	v52 =	vld [tilespmem:s21+$0x0]  }
0x9e: {  	v13 =	vld [tilespmem:s21+$0x200];
	v4 =	vadd.f32 v5, v4;
	v5 =	vmul.f32 v7, v48  }
0x9f: {  	v7 =	vld [tilespmem:s22+$0x200]  }
0xa0: {  	v53 =	vld [tilespmem:s22+$0x400];
	v4 =	vadd.f32 v5, v4;
	v5 =	vmul.f32 v49, v50  }
0xa1: {  	s31 =	simm.s32 $0x0;
	v14 =	vld [tilespmem:s21+$0x400]  }
0xa2: {  	v15 =	vmov s31;
	v54 =	vld [tilespmem:s22+$0x600];
	v4 =	vadd.f32 v5, v4;
	v5 =	vmul.f32 v51, v52  }
0xa3: {  	v15 =	vmul.u32 $0x3, v15;
	v16 =	vld [tilespmem:s21+$0x600]  }
0xa4: {  	v4 =	vadd.f32 v5, v4;
	v5 =	vmul.f32 v7, v13  }
0xa5: {  	v7 =	vbroadcast v15, $0x0  }
0xa6: {  	v4 =	vadd.f32 v5, v4;
	v5 =	vmul.f32 v53, v14  }
0xa7: {  	v55 =	vadd.s32 v0, v7  }
0xa8: {  	v4 =	vadd.f32 v5, v4;
	v5 =	vmul.f32 v54, v16;
	_ =	sdelay $0x1  }
0xa9: {  	v4 =	vadd.f32 v5, v4;
	_ =	sdelay $0x1  }
0xaa: {  	s23 =	sand.u32 $0x1F0, s31;
	[tilespmem:v55+s17+$0x0] =	vst.idx.msk $0xffff, v4  }
0xab: {  	v4 =	vld [tilespmem:s23+$0x3600]  }
0xac: {  	v5 =	vld [tilespmem:s23+$0x3800];
	_ =	sdelay $0x1  }
0xad: {  	v9 =	vld [tilespmem:s23+$0x3A00];
	_ =	sdelay $0x1  }
0xae: {  	v56 =	vld [tilespmem:s23+$0x3C00]  }
0xaf: {  	v4 =	vmul.f32 v4, v3;
	v5 =	vmul.f32 v5, v6  }
0xb0: {  	v57 =	vld [tilespmem:s23+$0x3E00]  }
0xb1: {  	v4 =	vadd.f32 v5, v4;
	v5 =	vmul.f32 v9, v48  }
0xb2: {  	v58 =	vld [tilespmem:s23+$0x4000]  }
0xb3: {  	v4 =	vadd.f32 v5, v4;
	v5 =	vmul.f32 v56, v50  }
0xb4: {  	v59 =	vld [tilespmem:s23+$0x4200]  }
0xb5: {  	v4 =	vadd.f32 v5, v4;
	v5 =	vmul.f32 v57, v52  }
0xb6: {  	v60 =	vld [tilespmem:s23+$0x4400]  }
0xb7: {  	v4 =	vadd.f32 v5, v4;
	v5 =	vmul.f32 v58, v13;
	_ =	sdelay $0x1  }
0xb8: {  	v4 =	vadd.f32 v5, v4;
	v5 =	vmul.f32 v59, v14  }
0xb9: {  	v61 =	vadd.s32 v1, v7  }
0xba: {  	v4 =	vadd.f32 v5, v4;
	v5 =	vmul.f32 v60, v16;
	_ =	sdelay $0x1  }
0xbb: {  	v4 =	vadd.f32 v5, v4;
	_ =	sdelay $0x1  }
0xbc: {  	[tilespmem:v61+s17+$0x0] =	vst.idx.msk $0xffff, v4  }
0xbd: {  	v4 =	vld [tilespmem:s23+$0x4600]  }
0xbe: {  	v5 =	vld [tilespmem:s23+$0x4800];
	_ =	sdelay $0x1  }
0xbf: {  	v9 =	vld [tilespmem:s23+$0x4A00];
	_ =	sdelay $0x1  }
0xc0: {  	v62 =	vld [tilespmem:s23+$0x4C00]  }
0xc1: {  	v3 =	vmul.f32 v4, v3;
	v4 =	vmul.f32 v5, v6  }
0xc2: {  	v5 =	vld [tilespmem:s23+$0x4E00]  }
0xc3: {  	v3 =	vadd.f32 v4, v3;
	v4 =	vmul.f32 v9, v48  }
0xc4: {  	v6 =	vld [tilespmem:s23+$0x5000]  }
0xc5: {  	v3 =	vadd.f32 v4, v3;
	v4 =	vmul.f32 v62, v50  }
0xc6: {  	v63 =	vld [tilespmem:s23+$0x5200]  }
0xc7: {  	v3 =	vadd.f32 v4, v3;
	v4 =	vmul.f32 v5, v52  }
0xc8: {  	v5 =	vld [tilespmem:s23+$0x5400]  }
0xc9: {  	v3 =	vadd.f32 v4, v3;
	v4 =	vmul.f32 v6, v13;
	_ =	sdelay $0x1  }
0xca: {  	v6 =	vmul.f32 v63, v14;
	v4 =	vadd.f32 v4, v3  }
0xcb: {  	v3 =	vadd.s32 v2, v7  }
0xcc: {  	s23 =	simm.s32 $0x10;
	v5 =	vmul.f32 v5, v16;
	v4 =	vadd.f32 v6, v4  }
.LBB2_5:
0xcd: {  	p0 =	sne.s32 s23, $0x1F0;
	s21 =	sadd.s32 $0x10, s21;
	s22 =	sadd.s32 $0x10, s22  }
0xce: {  	s24 =	smov.u32 s23;
	s23 =	sadd.s32 $0x10, s23;
	v4 =	vadd.f32 v5, v4;
	_ =	sdelay $0x1  }
0xcf: {  	[tilespmem:v3+s17+$0x0] =	vst.idx.msk $0xffff, v4  }
0xd0: {  	v3 =	vld [tilespmem:s21+$0xFFFFF800]  }
0xd1: {  	v4 =	vld [tilespmem:s22+$0xFFFFF800]  }
0xd2: {  	v5 =	vld [tilespmem:s22+$0xFFFFFA00]  }
0xd3: {  	v6 =	vld [tilespmem:s21+$0xFFFFFA00]  }
0xd4: {  	v7 =	vld [tilespmem:s22+$0xFFFFFC00]  }
0xd5: {  	v8 =	vld [tilespmem:s21+$0xFFFFFC00]  }
0xd6: {  	v4 =	vmul.f32 v4, v3;
	v9 =	vld [tilespmem:s22+$0xFFFFFE00]  }
0xd7: {  	v10 =	vld [tilespmem:s21+$0xFFFFFE00]  }
0xd8: {  	v5 =	vmul.f32 v5, v6;
	v11 =	vld [tilespmem:s22+$0x0]  }
0xd9: {  	v12 =	vld [tilespmem:s21+$0x0]  }
0xda: {  	v4 =	vadd.f32 v5, v4;
	v5 =	vmul.f32 v7, v8;
	v7 =	vld [tilespmem:s22+$0x200]  }
0xdb: {  	v13 =	vld [tilespmem:s21+$0x200]  }
0xdc: {  	v4 =	vadd.f32 v5, v4;
	v5 =	vmul.f32 v9, v10;
	v9 =	vld [tilespmem:s22+$0x400]  }
0xdd: {  	v14 =	vld [tilespmem:s21+$0x400]  }
0xde: {  	v15 =	vmov s24;
	v4 =	vadd.f32 v5, v4;
	v5 =	vmul.f32 v11, v12;
	v11 =	vld [tilespmem:s22+$0x600]  }
0xdf: {  	v15 =	vmul.u32 $0x3, v15;
	v16 =	vld [tilespmem:s21+$0x600]  }
0xe0: {  	v4 =	vadd.f32 v5, v4;
	v5 =	vmul.f32 v7, v13  }
0xe1: {  	v7 =	vbroadcast v15, $0x0  }
0xe2: {  	v4 =	vadd.f32 v5, v4;
	v5 =	vmul.f32 v9, v14  }
0xe3: {  	v9 =	vadd.s32 v0, v7  }
0xe4: {  	v4 =	vadd.f32 v5, v4;
	v5 =	vmul.f32 v11, v16;
	_ =	sdelay $0x1  }
0xe5: {  	v4 =	vadd.f32 v5, v4;
	_ =	sdelay $0x1  }
0xe6: {  	s24 =	sand.u32 $0x1F0, s24;
	[tilespmem:v9+s17+$0x0] =	vst.idx.msk $0xffff, v4  }
0xe7: {  	v4 =	vld [tilespmem:s24+$0x3600]  }
0xe8: {  	v5 =	vld [tilespmem:s24+$0x3800];
	_ =	sdelay $0x1  }
0xe9: {  	v9 =	vld [tilespmem:s24+$0x3A00];
	_ =	sdelay $0x1  }
0xea: {  	v4 =	vmul.f32 v4, v3;
	v11 =	vld [tilespmem:s24+$0x3C00]  }
0xeb: {  	v5 =	vmul.f32 v5, v6  }
0xec: {  	v15 =	vld [tilespmem:s24+$0x3E00]  }
0xed: {  	v4 =	vadd.f32 v5, v4;
	v5 =	vmul.f32 v9, v8  }
0xee: {  	v9 =	vld [tilespmem:s24+$0x4000]  }
0xef: {  	v4 =	vadd.f32 v5, v4;
	v5 =	vmul.f32 v11, v10  }
0xf0: {  	v11 =	vld [tilespmem:s24+$0x4200]  }
0xf1: {  	v4 =	vadd.f32 v5, v4;
	v5 =	vmul.f32 v15, v12  }
0xf2: {  	v15 =	vld [tilespmem:s24+$0x4400]  }
0xf3: {  	v4 =	vadd.f32 v5, v4;
	v5 =	vmul.f32 v9, v13;
	_ =	sdelay $0x1  }
0xf4: {  	v4 =	vadd.f32 v5, v4;
	v5 =	vmul.f32 v11, v14  }
0xf5: {  	v9 =	vadd.s32 v1, v7  }
0xf6: {  	v4 =	vadd.f32 v5, v4;
	v5 =	vmul.f32 v15, v16;
	_ =	sdelay $0x1  }
0xf7: {  	v4 =	vadd.f32 v5, v4;
	_ =	sdelay $0x1  }
0xf8: {  	[tilespmem:v9+s17+$0x0] =	vst.idx.msk $0xffff, v4  }
0xf9: {  	v4 =	vld [tilespmem:s24+$0x4600]  }
0xfa: {  	v5 =	vld [tilespmem:s24+$0x4800]  }
0xfb: {  	v9 =	vld [tilespmem:s24+$0x4A00]  }
0xfc: {  	v11 =	vld [tilespmem:s24+$0x4C00]  }
0xfd: {  	v15 =	vld [tilespmem:s24+$0x4E00]  }
0xfe: {  	v3 =	vmul.f32 v4, v3;
	v4 =	vld [tilespmem:s24+$0x5000]  }
0xff: {  	v5 =	vmul.f32 v5, v6;
	v6 =	vld [tilespmem:s24+$0x5200]  }
0x100: {  	v17 =	vld [tilespmem:s24+$0x5400]  }
0x101: {  	v3 =	vadd.f32 v5, v3;
	v5 =	vmul.f32 v9, v8;
	_ =	sdelay $0x1  }
0x102: {  	v3 =	vadd.f32 v5, v3;
	v5 =	vmul.f32 v11, v10;
	_ =	sdelay $0x1  }
0x103: {  	v3 =	vadd.f32 v5, v3;
	v5 =	vmul.f32 v15, v12;
	_ =	sdelay $0x1  }
.Ltmp1:
0x104: {  	v4 =	vmul.f32 v4, v13;
	v3 =	vadd.f32 v5, v3;
	(pc) =	sbr.rel @p0 .LBB2_5-.Ltmp1, $4  }
0x105: {  	_ = 	snop  }
0x106: {  	v5 =	vmul.f32 v6, v14;
	v4 =	vadd.f32 v4, v3  }
0x107: {  	v3 =	vadd.s32 v2, v7  }
0x108: {  	v4 =	vadd.f32 v5, v4;
	v5 =	vmul.f32 v17, v16  }
0x109: {  	_ =	sdelay $0x1  }
0x10a: {  	s19 =	sadd.s32 $0x1, s19;
	v4 =	vadd.f32 v5, v4  }
0x10b: {  	p0 =	sne.s32 s19, $0x40  }
.Ltmp2:
0x10c: {  	s20 =	sadd.s32 s7, s20;
	[tilespmem:v3+s17+$0x0] =	vst.idx.msk $0xffff, v4;
	(pc) =	sbr.rel @p0 .LBB2_2-.Ltmp2, $4  }
0x10d: {  	[hbm4b:s20+s2] =	stream.linear.scatter [tilespmem:s17], [sflag:$0x2], $0x600, $0x38;
	[tilespmem:$0x5C00] =	vst v63  }
0x10e: {  	_ =	swait.ge [sflag:s10], $0x600  }
0x10f: {  	[sflag:s10] =	ssyncset.done $0x0  }
0x110: {  	[sflag:s10] =	ssyncadd.s32 $0xFFFFFA00  }
0x111: {  	s18 =	sadd.s32 $0x1, s18  }
0x112: {  	p0 =	sne.s32 s18, s9  }
.Ltmp3:
0x113: {  	_ = 	snop;
	(pc) =	sbr.rel @p0 .LBB2_1-.Ltmp3, $1  }
0x114: {  	_ =	sdelay $0x3  }
0x115: {  	_ =	sfence.sel $0x180000  }
0x116: {  	[bflag:$0x0] =	sbarrier.arrive $0xFFFF  }
0x117: {  	p0 =	sne.s32 s3, $0x0;
	_ =	strace $0x90000047  }
0x118: {  	s0 =	sadd.s32 @!p0 $0x100000, s0;
	[bflag:$0x2] =	sbarrier.arrive $0xFFFF  }
0x119: {  	[sflag:s0] =	ssyncadd.tile.s32 @!p0 $0x1;
	_ =	shalt  }
.Lfunc_end2:
_tile_overlayer_lowered:
.L_overlay_start_2:
0x11a: {  	(tag) =	ssettag $0x2  }
0x11b: {  	s0 =	rddreg [dreg:$0x0];
	s2 =	stileid.u32  }
0x11c: {  	s1 =	rddreg [dreg:$0x1];
	p0 =	sne.s32 s2, $0x0  }
0x11d: {  	s3 =	rddreg [dreg:$0x2];
	[bflag:$0x3] =	sbarrier.arrive $0xFFFF;
	s2 =	simm.s32 @!p0 $0x1C02  }
0x11e: {  	[timem:s3], [sflag:s2] =	dma.local @!p0 [hbm:s0], s1  }
0x11f: {  	s0 =	simm.s32 @!p0 $0x2  }
0x120: {  	_ =	swait.ge @!p0 [sflag:s0], s1  }
0x121: {  	s1 =	ssub.s32 @!p0 $0x0, s1;
	[sflag:s0] =	ssyncset.done @!p0 $0x0  }
0x122: {  	[sflag:s0] =	ssyncadd.s32 @!p0 s1  }
0x123: {  	[bflag:$0x3] =	sbarrier.arrive $0xFFFF  }
0x124: {  	_ =	shalt  }

</sc_bundles>
